<compile_context>
chip_gen: v7x
topology: tpu7x:2x2x1
jax: 0.10.2.dev20260603
libtpu: 0.0.44.dev20260713+nightly
codegen_flags: <defaults>
</compile_context>

<pallas_src>
import functools

import jax
import jax.numpy as jnp
from jax import lax
from jax.experimental import pallas as pl
from jax.experimental.pallas import tpu as pltpu
from jax.experimental.pallas import tpu_sc as plsc

N = 10000
E = 320000
D = 128

N_PAD = 10240
ROWS_PER_TILE = N_PAD // 16
CHUNK = 128

SCW = 128
SC_CHUNKS = 80
E_PAD = 2 * 16 * SC_CHUNKS * SCW
DEG_CHUNKS = E_PAD // (16 * CHUNK)
DEG_LAG = 4
DEG_W = 16


def _sc_degrees_body(idx_hbm, ones_hbm, zeros_hbm, cnt_out, idx_v, ones_v,
                     cnt_sh, sem):
    c = lax.axis_index("c")
    s = lax.axis_index("s")
    rows = pl.ds(s * ROWS_PER_TILE, ROWS_PER_TILE)
    pltpu.sync_copy(zeros_hbm.at[rows], cnt_sh.at[rows])
    pltpu.sync_copy(ones_hbm, ones_v)
    pltpu.sync_copy(idx_hbm.at[c, s], idx_v)
    plsc.subcore_barrier()

    def body(j, carry):
        pltpu.sync_copy(ones_v, cnt_sh.at[idx_v.at[j]], add=True)
        return carry

    lax.fori_loop(0, DEG_CHUNKS, body, 0)
    plsc.subcore_barrier()
    pltpu.sync_copy(cnt_sh.at[rows], cnt_out.at[c, rows])


def _sc_scatter_body(z_hbm, src_hbm, dst_hbm, zeros_hbm, acc_out, src_v,
                     dst_v, buf, acc_sh, sem):
    c = lax.axis_index("c")
    s = lax.axis_index("s")
    rows = pl.ds(s * ROWS_PER_TILE, ROWS_PER_TILE)
    pltpu.sync_copy(zeros_hbm.at[rows], acc_sh.at[rows])
    pltpu.sync_copy(src_hbm.at[c, s], src_v)
    pltpu.sync_copy(dst_hbm.at[c, s], dst_v)
    plsc.subcore_barrier()

    def body(j, carry):
        pltpu.async_copy(z_hbm.at[src_v.at[j]], buf, sem).wait()
        pltpu.sync_copy(buf, acc_sh.at[dst_v.at[j]], add=True)
        return carry

    lax.fori_loop(0, SC_CHUNKS, body, 0)
    plsc.subcore_barrier()
    pltpu.sync_copy(acc_sh.at[rows], acc_out.at[c, rows])


@functools.cache
def _sc_kernels():
    mesh = plsc.VectorSubcoreMesh(core_axis_name="c", subcore_axis_name="s")
    degrees = pl.kernel(
        _sc_degrees_body,
        out_type=jax.ShapeDtypeStruct((2, N_PAD, D), jnp.float32),
        mesh=mesh,
        scratch_types=[
            pltpu.VMEM((DEG_CHUNKS, CHUNK), jnp.int32),
            pltpu.VMEM((CHUNK, D), jnp.float32),
            pltpu.VMEM_SHARED((N_PAD, D), jnp.float32),
            pltpu.SemaphoreType.DMA,
        ],
    )
    scatter = pl.kernel(
        _sc_scatter_body,
        out_type=jax.ShapeDtypeStruct((2, N_PAD, D), jnp.float32),
        mesh=mesh,
        scratch_types=[
            pltpu.VMEM((SC_CHUNKS, SCW), jnp.int32),
            pltpu.VMEM((SC_CHUNKS, SCW), jnp.int32),
            pltpu.VMEM((SCW, D), jnp.float32),
            pltpu.VMEM_SHARED((N_PAD, D), jnp.float32),
            pltpu.SemaphoreType.DMA,
        ],
    )
    return degrees, scatter



_BN = 1024
_GRID = N_PAD // _BN


def _prep_body(cnt_ref, so_ref, si_ref):
    i = pl.program_id(0)
    row = i * _BN + lax.broadcasted_iota(jnp.int32, (_BN, 1), 0)
    valid = row < N

    def scale(cvec):
        return jnp.where(valid, lax.rsqrt(jnp.maximum(cvec, 1.0)), 0.0)

    so_ref[...] = scale(cnt_ref[0, :, 0:1])
    si_ref[...] = scale(cnt_ref[1, :, 0:1])


def _tc_prep(cnt):
    return pl.pallas_call(
        _prep_body,
        grid=(_GRID,),
        in_specs=[pl.BlockSpec((2, _BN, D), lambda i: (0, i, 0))],
        out_specs=[pl.BlockSpec((_BN, 1), lambda i: (i, 0)),
                   pl.BlockSpec((_BN, 1), lambda i: (i, 0))],
        out_shape=[jax.ShapeDtypeStruct((N_PAD, 1), jnp.float32),
                   jax.ShapeDtypeStruct((N_PAD, 1), jnp.float32)],
    )(cnt)


def _stage0_body(x_ref, so_ref, w_ref, z_ref):
    z_ref[...] = jnp.dot(x_ref[...] * so_ref[...], w_ref[...],
                         preferred_element_type=jnp.float32)


def _tc_stage0(x, s_out, W):
    return pl.pallas_call(
        _stage0_body,
        grid=(_GRID,),
        in_specs=[pl.BlockSpec((_BN, D), lambda i: (i, 0)),
                  pl.BlockSpec((_BN, 1), lambda i: (i, 0)),
                  pl.BlockSpec((D, D), lambda i: (0, 0))],
        out_specs=pl.BlockSpec((_BN, D), lambda i: (i, 0)),
        out_shape=jax.ShapeDtypeStruct((N_PAD, D), jnp.float32),
    )(x, s_out, W)


def _stage_body(a_ref, si_ref, so_ref, b_ref, w_ref, z_ref):
    a = a_ref[0] + a_ref[1]
    h = jnp.maximum(a * si_ref[...] + b_ref[...], 0.0)
    z_ref[...] = jnp.dot(h * so_ref[...], w_ref[...],
                         preferred_element_type=jnp.float32)


def _tc_stage(a, s_in, s_out, b, W):
    return pl.pallas_call(
        _stage_body,
        grid=(_GRID,),
        in_specs=[pl.BlockSpec((2, _BN, D), lambda i: (0, i, 0)),
                  pl.BlockSpec((_BN, 1), lambda i: (i, 0)),
                  pl.BlockSpec((_BN, 1), lambda i: (i, 0)),
                  pl.BlockSpec((1, D), lambda i: (0, 0)),
                  pl.BlockSpec((D, D), lambda i: (0, 0))],
        out_specs=pl.BlockSpec((_BN, D), lambda i: (i, 0)),
        out_shape=jax.ShapeDtypeStruct((N_PAD, D), jnp.float32),
    )(a, s_in, s_out, b, W)


def _final_body(a_ref, si_ref, b2_ref, wo_ref, bo_ref, out_ref, acc_ref):
    i = pl.program_id(0)

    @pl.when(i == 0)
    def _():
        acc_ref[...] = jnp.zeros_like(acc_ref)

    a = a_ref[0] + a_ref[1]
    acc_ref[0:1, :] += jnp.sum(a * si_ref[...], axis=0, keepdims=True)

    @pl.when(i == _GRID - 1)
    def _():
        pooled = acc_ref[0:1, :] + jnp.float32(N) * b2_ref[...]
        out_ref[...] = jnp.dot(pooled, wo_ref[...],
                               preferred_element_type=jnp.float32) + bo_ref[...]


def _tc_final(a, s_in, b2, W_out, b_out):
    return pl.pallas_call(
        _final_body,
        grid=(_GRID,),
        in_specs=[pl.BlockSpec((2, _BN, D), lambda i: (0, i, 0)),
                  pl.BlockSpec((_BN, 1), lambda i: (i, 0)),
                  pl.BlockSpec((1, D), lambda i: (0, 0)),
                  pl.BlockSpec((D, D), lambda i: (0, 0)),
                  pl.BlockSpec((1, D), lambda i: (0, 0))],
        out_specs=pl.BlockSpec((1, D), lambda i: (0, 0)),
        out_shape=jax.ShapeDtypeStruct((1, D), jnp.float32),
        scratch_shapes=[pltpu.VMEM((8, D), jnp.float32)],
    )(a, s_in, b2, W_out, b_out)



@jax.jit
def _run(x, W0, b0, W1, b1, W2, b2, W_out, b_out, edge_index):
    f32 = jnp.float32
    x_pad = jnp.zeros((N_PAD, D), f32).at[:N].set(x)

    pad_idx = N + jnp.arange(E_PAD - E, dtype=jnp.int32) % (N_PAD - N)
    src = jnp.concatenate([edge_index[0], pad_idx])
    dst = jnp.concatenate([edge_index[1], pad_idx])
    deg_idx = jnp.stack([src, dst]).reshape(2, 16, DEG_CHUNKS, CHUNK)
    src_r = src.reshape(2, 16, SC_CHUNKS, SCW)
    dst_r = dst.reshape(2, 16, SC_CHUNKS, SCW)

    ones_deg = jnp.ones((CHUNK, D), f32)
    zeros128 = jnp.zeros((N_PAD, D), f32)

    sc_degrees, sc_scatter = _sc_kernels()
    cnt = sc_degrees(deg_idx, ones_deg, zeros128)
    s_out, s_in = _tc_prep(cnt)

    z = _tc_stage0(x_pad, s_out, W0)
    a = sc_scatter(z, src_r, dst_r, zeros128)
    z = _tc_stage(a, s_in, s_out, b0.reshape(1, D), W1)
    a = sc_scatter(z, src_r, dst_r, zeros128)
    z = _tc_stage(a, s_in, s_out, b1.reshape(1, D), W2)
    a = sc_scatter(z, src_r, dst_r, zeros128)
    return _tc_final(a, s_in, b2.reshape(1, D), W_out, b_out.reshape(1, D))


def kernel(x, W0, b0, W1, b1, W2, b2, W_out, b_out, edge_index):
    return _run(x, W0, b0, W1, b1, W2, b2, W_out, b_out, edge_index)

# --- scband reference (transcript-rebuilt; emitter-appended) ---
"""Pipeline reference for scband-feed-forward-dgl-32152125177872 (READ-ONLY COPY).

The authoritative reference and input builder live on the scoring server;
editing this copy changes nothing except your own understanding.
"""

import jax, jax.numpy as jnp
import numpy as np

N = 10000
E = 320000
D = 128


def _glorot(k, shape):
    return jax.random.normal(k, shape, dtype=jnp.float32) * 0.02


def setup_inputs(seed: int = 0) -> dict:
    key = jax.random.key(seed)
    ks = jax.random.split(key, 12)
    x = jax.random.normal(ks[0], (N, D), dtype=jnp.float32)
    edge_index = jax.random.randint(ks[1], (2, E), 0, N, dtype=jnp.int32)
    W0 = _glorot(ks[2], (D, D)); b0 = jnp.zeros((D,), jnp.float32)
    W1 = _glorot(ks[3], (D, D)); b1 = jnp.zeros((D,), jnp.float32)
    W2 = _glorot(ks[4], (D, D)); b2 = jnp.zeros((D,), jnp.float32)
    W_out = _glorot(ks[5], (D, D)); b_out = jnp.zeros((D,), jnp.float32)
    return {"x": x, "W0": W0, "b0": b0, "W1": W1, "b1": b1,
            "W2": W2, "b2": b2, "W_out": W_out, "b_out": b_out,
            "edge_index": edge_index}


def _gcn_layer(h, src, dst, W, b, act):
    # DGL GraphConv with norm='both': symmetric degree normalization
    deg_out = jnp.clip(jnp.zeros((N,), jnp.float32).at[src].add(1.0), 1.0, None)
    deg_in = jnp.clip(jnp.zeros((N,), jnp.float32).at[dst].add(1.0), 1.0, None)
    h_norm = h * (deg_out ** -0.5)[:, None]
    msg = jnp.take(h_norm, src, axis=0)              # gather (SparseCore)
    agg = jnp.zeros((N, h.shape[1]), h.dtype).at[dst].add(msg)  # scatter-add
    agg = agg * (deg_in ** -0.5)[:, None]
    out = agg @ W + b
    return act(out)


def reference(x, W0, b0, W1, b1, W2, b2, W_out, b_out, edge_index):
    src = edge_index[0]
    dst = edge_index[1]
    # depth=3 GCN stack: full_dims = [128, 128, 128, 128], last_activation='none'
    h = _gcn_layer(x, src, dst, W0, b0, jax.nn.relu)
    h = _gcn_layer(h, src, dst, W1, b1, jax.nn.relu)
    h = _gcn_layer(h, src, dst, W2, b2, lambda a: a)
    # global sum pooling over the (single) graph, then out_linear
    pooled = jnp.sum(h, axis=0, keepdims=True)
    return pooled @ W_out + b_out

if __name__ == "__main__":
    import jax
    _d = setup_inputs()
    print(jax.jit(kernel)(*tuple(_d.values())))

</pallas_src>

<mosaic_0001>
#map = affine_map<(d0, d1) -> (0, 0)>
#map1 = affine_map<(d0, d1) -> (0, 0, 0, 0)>
#map2 = affine_map<(d0, d1) -> (0, 0, 0)>
module attributes {stable_mosaic.version = 14 : i64} {
  func.func @_sc_scatter_body(%arg0: i32, %arg1: i32, %arg2: memref<10240x128xf32, #tpu.memory_space<hbm>>, %arg3: memref<2x16x80x128xi32, #tpu.memory_space<hbm>>, %arg4: memref<2x16x80x128xi32, #tpu.memory_space<hbm>>, %arg5: memref<10240x128xf32, #tpu.memory_space<hbm>>, %arg6: memref<2x10240x128xf32, #tpu.memory_space<hbm>>, %arg7: memref<80x128xi32, #tpu.memory_space<vmem>>, %arg8: memref<80x128xi32, #tpu.memory_space<vmem>>, %arg9: memref<128x128xf32, #tpu.memory_space<vmem>>, %arg10: memref<10240x128xf32, #tpu.memory_space<vmem_shared>>, %arg11: memref<!tpu.dma_semaphore, #tpu.memory_space<semaphore_mem>>) attributes {dimension_semantics = [#tpu.dimension_semantics<core_parallel>, #tpu.dimension_semantics<subcore_parallel>], iteration_bounds = array<i64: 2, 16>, scalar_prefetch = 0 : i64, scratch_operands = 5 : i64, tpu.core_type = #tpu.core_type<sc_vector_subcore>, window_params = [{transform_indices = #map}, {transform_indices = #map1}, {transform_indices = #map1}, {transform_indices = #map}, {transform_indices = #map2}]} {
    %mul3A = arith.constant 640 : i32
    %mul3A_0 = arith.muli %arg1, %mul3A : i32
    "tpu.region"() ({
      %run_scoped3A = tpu.sem_alloc : memref<!tpu.dma_semaphore, #tpu.memory_space<semaphore_mem>>
      %dma_start3A = arith.constant 0 : i32
      %dma_start3A_7 = tpu.memref_slice %arg10[%mul3A_0, %dma_start3A] : memref<10240x128xf32, #tpu.memory_space<vmem_shared>> -> memref<640x128xf32, #tpu.memory_space<vmem_shared>>
      %dma_start3A_8 = arith.constant 0 : i32
      %dma_start3A_9 = tpu.memref_slice %arg5[%mul3A_0, %dma_start3A_8] : memref<10240x128xf32, #tpu.memory_space<hbm>> -> memref<640x128xf32, #tpu.memory_space<hbm>>
      tpu.enqueue_dma source(%dma_start3A_9 : memref<640x128xf32, #tpu.memory_space<hbm>>) target(%dma_start3A_7 : memref<640x128xf32, #tpu.memory_space<vmem_shared>>) target_semaphore(%run_scoped3A : memref<!tpu.dma_semaphore, #tpu.memory_space<semaphore_mem>>)
      %dma_wait3A = arith.constant 0 : i32
      %dma_wait3A_10 = tpu.memref_slice %arg10[%mul3A_0, %dma_wait3A] : memref<10240x128xf32, #tpu.memory_space<vmem_shared>> -> memref<640x128xf32, #tpu.memory_space<vmem_shared>>
      %dma_wait3A_11 = arith.constant 0 : i32
      %dma_wait3A_12 = tpu.memref_slice %arg5[%mul3A_0, %dma_wait3A_11] : memref<10240x128xf32, #tpu.memory_space<hbm>> -> memref<640x128xf32, #tpu.memory_space<hbm>>
      tpu.wait_dma2 semaphore(%run_scoped3A : memref<!tpu.dma_semaphore, #tpu.memory_space<semaphore_mem>>) src(%dma_wait3A_12 : memref<640x128xf32, #tpu.memory_space<hbm>>) dst(%dma_wait3A_10 : memref<640x128xf32, #tpu.memory_space<vmem_shared>>)
      tpu.yield
    }) : () -> ()
    "tpu.region"() ({
      %run_scoped3A = tpu.sem_alloc : memref<!tpu.dma_semaphore, #tpu.memory_space<semaphore_mem>>
      %dma_start3A = arith.constant 0 : i32
      %dma_start3A_7 = arith.constant 0 : i32
      %dma_start3A_8 = tpu.memref_slice %arg3[%arg0, %arg1, %dma_start3A, %dma_start3A_7] : memref<2x16x80x128xi32, #tpu.memory_space<hbm>> -> memref<1x1x80x128xi32, #tpu.memory_space<hbm>>
      %dma_start3A_9 = tpu.memref_squeeze %dma_start3A_8 : memref<1x1x80x128xi32, #tpu.memory_space<hbm>> -> memref<80x128xi32, #tpu.memory_space<hbm>>
      %dma_start3A_10 = arith.constant 0 : i32
      %dma_start3A_11 = arith.constant 0 : i32
      %dma_start3A_12 = tpu.memref_slice %arg3[%arg0, %arg1, %dma_start3A_10, %dma_start3A_11] : memref<2x16x80x128xi32, #tpu.memory_space<hbm>> -> memref<1x1x80x128xi32, #tpu.memory_space<hbm>>
      %dma_start3A_13 = tpu.memref_squeeze %dma_start3A_12 : memref<1x1x80x128xi32, #tpu.memory_space<hbm>> -> memref<80x128xi32, #tpu.memory_space<hbm>>
      tpu.enqueue_dma source(%dma_start3A_13 : memref<80x128xi32, #tpu.memory_space<hbm>>) target(%arg7 : memref<80x128xi32, #tpu.memory_space<vmem>>) target_semaphore(%run_scoped3A : memref<!tpu.dma_semaphore, #tpu.memory_space<semaphore_mem>>)
      %dma_wait3A = arith.constant 0 : i32
      %dma_wait3A_14 = arith.constant 0 : i32
      %dma_wait3A_15 = tpu.memref_slice %arg3[%arg0, %arg1, %dma_wait3A, %dma_wait3A_14] : memref<2x16x80x128xi32, #tpu.memory_space<hbm>> -> memref<1x1x80x128xi32, #tpu.memory_space<hbm>>
      %dma_wait3A_16 = tpu.memref_squeeze %dma_wait3A_15 : memref<1x1x80x128xi32, #tpu.memory_space<hbm>> -> memref<80x128xi32, #tpu.memory_space<hbm>>
      %dma_wait3A_17 = arith.constant 0 : i32
      %dma_wait3A_18 = arith.constant 0 : i32
      %dma_wait3A_19 = tpu.memref_slice %arg3[%arg0, %arg1, %dma_wait3A_17, %dma_wait3A_18] : memref<2x16x80x128xi32, #tpu.memory_space<hbm>> -> memref<1x1x80x128xi32, #tpu.memory_space<hbm>>
      %dma_wait3A_20 = tpu.memref_squeeze %dma_wait3A_19 : memref<1x1x80x128xi32, #tpu.memory_space<hbm>> -> memref<80x128xi32, #tpu.memory_space<hbm>>
      tpu.wait_dma2 semaphore(%run_scoped3A : memref<!tpu.dma_semaphore, #tpu.memory_space<semaphore_mem>>) src(%dma_wait3A_20 : memref<80x128xi32, #tpu.memory_space<hbm>>) dst(%arg7 : memref<80x128xi32, #tpu.memory_space<vmem>>)
      tpu.yield
    }) : () -> ()
    "tpu.region"() ({
      %run_scoped3A = tpu.sem_alloc : memref<!tpu.dma_semaphore, #tpu.memory_space<semaphore_mem>>
      %dma_start3A = arith.constant 0 : i32
      %dma_start3A_7 = arith.constant 0 : i32
      %dma_start3A_8 = tpu.memref_slice %arg4[%arg0, %arg1, %dma_start3A, %dma_start3A_7] : memref<2x16x80x128xi32, #tpu.memory_space<hbm>> -> memref<1x1x80x128xi32, #tpu.memory_space<hbm>>
      %dma_start3A_9 = tpu.memref_squeeze %dma_start3A_8 : memref<1x1x80x128xi32, #tpu.memory_space<hbm>> -> memref<80x128xi32, #tpu.memory_space<hbm>>
      %dma_start3A_10 = arith.constant 0 : i32
      %dma_start3A_11 = arith.constant 0 : i32
      %dma_start3A_12 = tpu.memref_slice %arg4[%arg0, %arg1, %dma_start3A_10, %dma_start3A_11] : memref<2x16x80x128xi32, #tpu.memory_space<hbm>> -> memref<1x1x80x128xi32, #tpu.memory_space<hbm>>
      %dma_start3A_13 = tpu.memref_squeeze %dma_start3A_12 : memref<1x1x80x128xi32, #tpu.memory_space<hbm>> -> memref<80x128xi32, #tpu.memory_space<hbm>>
      tpu.enqueue_dma source(%dma_start3A_13 : memref<80x128xi32, #tpu.memory_space<hbm>>) target(%arg8 : memref<80x128xi32, #tpu.memory_space<vmem>>) target_semaphore(%run_scoped3A : memref<!tpu.dma_semaphore, #tpu.memory_space<semaphore_mem>>)
      %dma_wait3A = arith.constant 0 : i32
      %dma_wait3A_14 = arith.constant 0 : i32
      %dma_wait3A_15 = tpu.memref_slice %arg4[%arg0, %arg1, %dma_wait3A, %dma_wait3A_14] : memref<2x16x80x128xi32, #tpu.memory_space<hbm>> -> memref<1x1x80x128xi32, #tpu.memory_space<hbm>>
      %dma_wait3A_16 = tpu.memref_squeeze %dma_wait3A_15 : memref<1x1x80x128xi32, #tpu.memory_space<hbm>> -> memref<80x128xi32, #tpu.memory_space<hbm>>
      %dma_wait3A_17 = arith.constant 0 : i32
      %dma_wait3A_18 = arith.constant 0 : i32
      %dma_wait3A_19 = tpu.memref_slice %arg4[%arg0, %arg1, %dma_wait3A_17, %dma_wait3A_18] : memref<2x16x80x128xi32, #tpu.memory_space<hbm>> -> memref<1x1x80x128xi32, #tpu.memory_space<hbm>>
      %dma_wait3A_20 = tpu.memref_squeeze %dma_wait3A_19 : memref<1x1x80x128xi32, #tpu.memory_space<hbm>> -> memref<80x128xi32, #tpu.memory_space<hbm>>
      tpu.wait_dma2 semaphore(%run_scoped3A : memref<!tpu.dma_semaphore, #tpu.memory_space<semaphore_mem>>) src(%dma_wait3A_20 : memref<80x128xi32, #tpu.memory_space<hbm>>) dst(%arg8 : memref<80x128xi32, #tpu.memory_space<vmem>>)
      tpu.yield
    }) : () -> ()
    %barrier3A = arith.constant 0 : index
    tpu.barrier barrier_id(%barrier3A)
    %scan3A = arith.constant 0 : i32
    %scan3A_1 = arith.constant 0 : i32
    %scan3A_2 = arith.constant 80 : i32
    %scan3A_3 = arith.addi %scan3A_1, %scan3A_2 : i32
    %scan3A_4 = arith.constant 1 : i32
    scf.for %scan3A_7 = %scan3A_1 to %scan3A_3 step %scan3A_4  : i32 {
      %dma_start3A = arith.constant 0 : i32
      %dma_start3A_8 = tpu.memref_slice %arg7[%scan3A_7, %dma_start3A] : memref<80x128xi32, #tpu.memory_space<vmem>> -> memref<1x128xi32, #tpu.memory_space<vmem>>
      %dma_start3A_9 = tpu.memref_squeeze %dma_start3A_8 : memref<1x128xi32, #tpu.memory_space<vmem>> -> memref<128xi32, #tpu.memory_space<vmem>>
      %dma_start3A_10 = arith.constant 0 : i32
      %dma_start3A_11 = arith.constant 0 : i32
      %dma_start3A_12 = tpu.memref_slice %arg2[%dma_start3A_10, %dma_start3A_11] : memref<10240x128xf32, #tpu.memory_space<hbm>> -> memref<10240x128xf32, #tpu.memory_space<hbm>>
      tpu.enqueue_indirect_dma source(%dma_start3A_12 : memref<10240x128xf32, #tpu.memory_space<hbm>>) target(%arg9 : memref<128x128xf32, #tpu.memory_space<vmem>>) offsets(%dma_start3A_9 : memref<128xi32, #tpu.memory_space<vmem>>) semaphore(%arg11 : memref<!tpu.dma_semaphore, #tpu.memory_space<semaphore_mem>>)
      %dma_wait3A = arith.constant 0 : i32
      %dma_wait3A_13 = tpu.memref_slice %arg7[%scan3A_7, %dma_wait3A] : memref<80x128xi32, #tpu.memory_space<vmem>> -> memref<1x128xi32, #tpu.memory_space<vmem>>
      %dma_wait3A_14 = tpu.memref_squeeze %dma_wait3A_13 : memref<1x128xi32, #tpu.memory_space<vmem>> -> memref<128xi32, #tpu.memory_space<vmem>>
      %dma_wait3A_15 = arith.constant 0 : i32
      %dma_wait3A_16 = arith.constant 0 : i32
      %dma_wait3A_17 = tpu.memref_slice %arg2[%dma_wait3A_15, %dma_wait3A_16] : memref<10240x128xf32, #tpu.memory_space<hbm>> -> memref<10240x128xf32, #tpu.memory_space<hbm>>
      tpu.wait_indirect_dma semaphore(%arg11 : memref<!tpu.dma_semaphore, #tpu.memory_space<semaphore_mem>>) src(%dma_wait3A_17 : memref<10240x128xf32, #tpu.memory_space<hbm>>) dst(%arg9 : memref<128x128xf32, #tpu.memory_space<vmem>>)
      "tpu.region"() ({
        %run_scoped3A = tpu.sem_alloc : memref<!tpu.dma_semaphore, #tpu.memory_space<semaphore_mem>>
        %dma_start3A_18 = arith.constant 0 : i32
        %dma_start3A_19 = tpu.memref_slice %arg8[%scan3A_7, %dma_start3A_18] : memref<80x128xi32, #tpu.memory_space<vmem>> -> memref<1x128xi32, #tpu.memory_space<vmem>>
        %dma_start3A_20 = tpu.memref_squeeze %dma_start3A_19 : memref<1x128xi32, #tpu.memory_space<vmem>> -> memref<128xi32, #tpu.memory_space<vmem>>
        %dma_start3A_21 = arith.constant 0 : i32
        %dma_start3A_22 = arith.constant 0 : i32
        %dma_start3A_23 = tpu.memref_slice %arg10[%dma_start3A_21, %dma_start3A_22] : memref<10240x128xf32, #tpu.memory_space<vmem_shared>> -> memref<10240x128xf32, #tpu.memory_space<vmem_shared>>
        tpu.enqueue_indirect_dma source(%arg9 : memref<128x128xf32, #tpu.memory_space<vmem>>) target(%dma_start3A_23 : memref<10240x128xf32, #tpu.memory_space<vmem_shared>>) offsets(%dma_start3A_20 : memref<128xi32, #tpu.memory_space<vmem>>) semaphore(%run_scoped3A : memref<!tpu.dma_semaphore, #tpu.memory_space<semaphore_mem>>) {add = true}
        %dma_wait3A_24 = arith.constant 0 : i32
        %dma_wait3A_25 = tpu.memref_slice %arg8[%scan3A_7, %dma_wait3A_24] : memref<80x128xi32, #tpu.memory_space<vmem>> -> memref<1x128xi32, #tpu.memory_space<vmem>>
        %dma_wait3A_26 = tpu.memref_squeeze %dma_wait3A_25 : memref<1x128xi32, #tpu.memory_space<vmem>> -> memref<128xi32, #tpu.memory_space<vmem>>
        %dma_wait3A_27 = arith.constant 0 : i32
        %dma_wait3A_28 = arith.constant 0 : i32
        %dma_wait3A_29 = tpu.memref_slice %arg10[%dma_wait3A_27, %dma_wait3A_28] : memref<10240x128xf32, #tpu.memory_space<vmem_shared>> -> memref<10240x128xf32, #tpu.memory_space<vmem_shared>>
        tpu.wait_indirect_dma semaphore(%run_scoped3A : memref<!tpu.dma_semaphore, #tpu.memory_space<semaphore_mem>>) src(%arg9 : memref<128x128xf32, #tpu.memory_space<vmem>>) dst(%dma_wait3A_29 : memref<10240x128xf32, #tpu.memory_space<vmem_shared>>)
        tpu.yield
      }) : () -> ()
    }
    %scan3A_5 = arith.constant 80 : i32
    %barrier3A_6 = arith.constant 0 : index
    tpu.barrier barrier_id(%barrier3A_6)
    "tpu.region"() ({
      %run_scoped3A = tpu.sem_alloc : memref<!tpu.dma_semaphore, #tpu.memory_space<semaphore_mem>>
      %dma_start3A = arith.constant 0 : i32
      %dma_start3A_7 = tpu.memref_slice %arg6[%arg0, %mul3A_0, %dma_start3A] : memref<2x10240x128xf32, #tpu.memory_space<hbm>> -> memref<1x640x128xf32, #tpu.memory_space<hbm>>
      %dma_start3A_8 = tpu.memref_squeeze %dma_start3A_7 : memref<1x640x128xf32, #tpu.memory_space<hbm>> -> memref<640x128xf32, #tpu.memory_space<hbm>>
      %dma_start3A_9 = arith.constant 0 : i32
      %dma_start3A_10 = tpu.memref_slice %arg10[%mul3A_0, %dma_start3A_9] : memref<10240x128xf32, #tpu.memory_space<vmem_shared>> -> memref<640x128xf32, #tpu.memory_space<vmem_shared>>
      tpu.enqueue_dma source(%dma_start3A_10 : memref<640x128xf32, #tpu.memory_space<vmem_shared>>) target(%dma_start3A_8 : memref<640x128xf32, #tpu.memory_space<hbm>>) target_semaphore(%run_scoped3A : memref<!tpu.dma_semaphore, #tpu.memory_space<semaphore_mem>>)
      %dma_wait3A = arith.constant 0 : i32
      %dma_wait3A_11 = tpu.memref_slice %arg6[%arg0, %mul3A_0, %dma_wait3A] : memref<2x10240x128xf32, #tpu.memory_space<hbm>> -> memref<1x640x128xf32, #tpu.memory_space<hbm>>
      %dma_wait3A_12 = tpu.memref_squeeze %dma_wait3A_11 : memref<1x640x128xf32, #tpu.memory_space<hbm>> -> memref<640x128xf32, #tpu.memory_space<hbm>>
      %dma_wait3A_13 = arith.constant 0 : i32
      %dma_wait3A_14 = tpu.memref_slice %arg10[%mul3A_0, %dma_wait3A_13] : memref<10240x128xf32, #tpu.memory_space<vmem_shared>> -> memref<640x128xf32, #tpu.memory_space<vmem_shared>>
      tpu.wait_dma2 semaphore(%run_scoped3A : memref<!tpu.dma_semaphore, #tpu.memory_space<semaphore_mem>>) src(%dma_wait3A_14 : memref<640x128xf32, #tpu.memory_space<vmem_shared>>) dst(%dma_wait3A_12 : memref<640x128xf32, #tpu.memory_space<hbm>>)
      tpu.yield
    }) : () -> ()
    return
  }
}

#map = affine_map<(d0, d1) -> (0, 0)>
#map1 = affine_map<(d0, d1) -> (0, 0, 0, 0)>
#map2 = affine_map<(d0, d1) -> (0, 0, 0)>
module attributes {stable_mosaic.version = 14 : i64} {
  func.func @_sc_scatter_body(%arg0: i32, %arg1: i32, %arg2: memref<10240x128xf32, #tpu.memory_space<hbm>>, %arg3: memref<2x16x80x128xi32, #tpu.memory_space<hbm>>, %arg4: memref<2x16x80x128xi32, #tpu.memory_space<hbm>>, %arg5: memref<10240x128xf32, #tpu.memory_space<hbm>>, %arg6: memref<2x10240x128xf32, #tpu.memory_space<hbm>>, %arg7: memref<80x128xi32, #tpu.memory_space<vmem>>, %arg8: memref<80x128xi32, #tpu.memory_space<vmem>>, %arg9: memref<128x128xf32, #tpu.memory_space<vmem>>, %arg10: memref<10240x128xf32, #tpu.memory_space<vmem_shared>>, %arg11: memref<!tpu.dma_semaphore, #tpu.memory_space<semaphore_mem>>) attributes {dimension_semantics = [#tpu.dimension_semantics<core_parallel>, #tpu.dimension_semantics<subcore_parallel>], iteration_bounds = array<i64: 2, 16>, scalar_prefetch = 0 : i64, scratch_operands = 5 : i64, tpu.core_type = #tpu.core_type<sc_vector_subcore>, window_params = [{transform_indices = #map}, {transform_indices = #map1}, {transform_indices = #map1}, {transform_indices = #map}, {transform_indices = #map2}]} {
    %mul3A = arith.constant 640 : i32
    %mul3A_0 = arith.muli %arg1, %mul3A : i32
    "tpu.region"() ({
      %run_scoped3A = tpu.sem_alloc : memref<!tpu.dma_semaphore, #tpu.memory_space<semaphore_mem>>
      %dma_start3A = arith.constant 0 : i32
      %dma_start3A_7 = tpu.memref_slice %arg10[%mul3A_0, %dma_start3A] : memref<10240x128xf32, #tpu.memory_space<vmem_shared>> -> memref<640x128xf32, #tpu.memory_space<vmem_shared>>
      %dma_start3A_8 = arith.constant 0 : i32
      %dma_start3A_9 = tpu.memref_slice %arg5[%mul3A_0, %dma_start3A_8] : memref<10240x128xf32, #tpu.memory_space<hbm>> -> memref<640x128xf32, #tpu.memory_space<hbm>>
      tpu.enqueue_dma source(%dma_start3A_9 : memref<640x128xf32, #tpu.memory_space<hbm>>) target(%dma_start3A_7 : memref<640x128xf32, #tpu.memory_space<vmem_shared>>) target_semaphore(%run_scoped3A : memref<!tpu.dma_semaphore, #tpu.memory_space<semaphore_mem>>)
      %dma_wait3A = arith.constant 0 : i32
      %dma_wait3A_10 = tpu.memref_slice %arg10[%mul3A_0, %dma_wait3A] : memref<10240x128xf32, #tpu.memory_space<vmem_shared>> -> memref<640x128xf32, #tpu.memory_space<vmem_shared>>
      %dma_wait3A_11 = arith.constant 0 : i32
      %dma_wait3A_12 = tpu.memref_slice %arg5[%mul3A_0, %dma_wait3A_11] : memref<10240x128xf32, #tpu.memory_space<hbm>> -> memref<640x128xf32, #tpu.memory_space<hbm>>
      tpu.wait_dma2 semaphore(%run_scoped3A : memref<!tpu.dma_semaphore, #tpu.memory_space<semaphore_mem>>) src(%dma_wait3A_12 : memref<640x128xf32, #tpu.memory_space<hbm>>) dst(%dma_wait3A_10 : memref<640x128xf32, #tpu.memory_space<vmem_shared>>)
      tpu.yield
    }) : () -> ()
    "tpu.region"() ({
      %run_scoped3A = tpu.sem_alloc : memref<!tpu.dma_semaphore, #tpu.memory_space<semaphore_mem>>
      %dma_start3A = arith.constant 0 : i32
      %dma_start3A_7 = arith.constant 0 : i32
      %dma_start3A_8 = tpu.memref_slice %arg3[%arg0, %arg1, %dma_start3A, %dma_start3A_7] : memref<2x16x80x128xi32, #tpu.memory_space<hbm>> -> memref<1x1x80x128xi32, #tpu.memory_space<hbm>>
      %dma_start3A_9 = tpu.memref_squeeze %dma_start3A_8 : memref<1x1x80x128xi32, #tpu.memory_space<hbm>> -> memref<80x128xi32, #tpu.memory_space<hbm>>
      %dma_start3A_10 = arith.constant 0 : i32
      %dma_start3A_11 = arith.constant 0 : i32
      %dma_start3A_12 = tpu.memref_slice %arg3[%arg0, %arg1, %dma_start3A_10, %dma_start3A_11] : memref<2x16x80x128xi32, #tpu.memory_space<hbm>> -> memref<1x1x80x128xi32, #tpu.memory_space<hbm>>
      %dma_start3A_13 = tpu.memref_squeeze %dma_start3A_12 : memref<1x1x80x128xi32, #tpu.memory_space<hbm>> -> memref<80x128xi32, #tpu.memory_space<hbm>>
      tpu.enqueue_dma source(%dma_start3A_13 : memref<80x128xi32, #tpu.memory_space<hbm>>) target(%arg7 : memref<80x128xi32, #tpu.memory_space<vmem>>) target_semaphore(%run_scoped3A : memref<!tpu.dma_semaphore, #tpu.memory_space<semaphore_mem>>)
      %dma_wait3A = arith.constant 0 : i32
      %dma_wait3A_14 = arith.constant 0 : i32
      %dma_wait3A_15 = tpu.memref_slice %arg3[%arg0, %arg1, %dma_wait3A, %dma_wait3A_14] : memref<2x16x80x128xi32, #tpu.memory_space<hbm>> -> memref<1x1x80x128xi32, #tpu.memory_space<hbm>>
      %dma_wait3A_16 = tpu.memref_squeeze %dma_wait3A_15 : memref<1x1x80x128xi32, #tpu.memory_space<hbm>> -> memref<80x128xi32, #tpu.memory_space<hbm>>
      %dma_wait3A_17 = arith.constant 0 : i32
      %dma_wait3A_18 = arith.constant 0 : i32
      %dma_wait3A_19 = tpu.memref_slice %arg3[%arg0, %arg1, %dma_wait3A_17, %dma_wait3A_18] : memref<2x16x80x128xi32, #tpu.memory_space<hbm>> -> memref<1x1x80x128xi32, #tpu.memory_space<hbm>>
      %dma_wait3A_20 = tpu.memref_squeeze %dma_wait3A_19 : memref<1x1x80x128xi32, #tpu.memory_space<hbm>> -> memref<80x128xi32, #tpu.memory_space<hbm>>
      tpu.wait_dma2 semaphore(%run_scoped3A : memref<!tpu.dma_semaphore, #tpu.memory_space<semaphore_mem>>) src(%dma_wait3A_20 : memref<80x128xi32, #tpu.memory_space<hbm>>) dst(%arg7 : memref<80x128xi32, #tpu.memory_space<vmem>>)
      tpu.yield
    }) : () -> ()
    "tpu.region"() ({
      %run_scoped3A = tpu.sem_alloc : memref<!tpu.dma_semaphore, #tpu.memory_space<semaphore_mem>>
      %dma_start3A = arith.constant 0 : i32
      %dma_start3A_7 = arith.constant 0 : i32
      %dma_start3A_8 = tpu.memref_slice %arg4[%arg0, %arg1, %dma_start3A, %dma_start3A_7] : memref<2x16x80x128xi32, #tpu.memory_space<hbm>> -> memref<1x1x80x128xi32, #tpu.memory_space<hbm>>
      %dma_start3A_9 = tpu.memref_squeeze %dma_start3A_8 : memref<1x1x80x128xi32, #tpu.memory_space<hbm>> -> memref<80x128xi32, #tpu.memory_space<hbm>>
      %dma_start3A_10 = arith.constant 0 : i32
      %dma_start3A_11 = arith.constant 0 : i32
      %dma_start3A_12 = tpu.memref_slice %arg4[%arg0, %arg1, %dma_start3A_10, %dma_start3A_11] : memref<2x16x80x128xi32, #tpu.memory_space<hbm>> -> memref<1x1x80x128xi32, #tpu.memory_space<hbm>>
      %dma_start3A_13 = tpu.memref_squeeze %dma_start3A_12 : memref<1x1x80x128xi32, #tpu.memory_space<hbm>> -> memref<80x128xi32, #tpu.memory_space<hbm>>
      tpu.enqueue_dma source(%dma_start3A_13 : memref<80x128xi32, #tpu.memory_space<hbm>>) target(%arg8 : memref<80x128xi32, #tpu.memory_space<vmem>>) target_semaphore(%run_scoped3A : memref<!tpu.dma_semaphore, #tpu.memory_space<semaphore_mem>>)
      %dma_wait3A = arith.constant 0 : i32
      %dma_wait3A_14 = arith.constant 0 : i32
      %dma_wait3A_15 = tpu.memref_slice %arg4[%arg0, %arg1, %dma_wait3A, %dma_wait3A_14] : memref<2x16x80x128xi32, #tpu.memory_space<hbm>> -> memref<1x1x80x128xi32, #tpu.memory_space<hbm>>
      %dma_wait3A_16 = tpu.memref_squeeze %dma_wait3A_15 : memref<1x1x80x128xi32, #tpu.memory_space<hbm>> -> memref<80x128xi32, #tpu.memory_space<hbm>>
      %dma_wait3A_17 = arith.constant 0 : i32
      %dma_wait3A_18 = arith.constant 0 : i32
      %dma_wait3A_19 = tpu.memref_slice %arg4[%arg0, %arg1, %dma_wait3A_17, %dma_wait3A_18] : memref<2x16x80x128xi32, #tpu.memory_space<hbm>> -> memref<1x1x80x128xi32, #tpu.memory_space<hbm>>
      %dma_wait3A_20 = tpu.memref_squeeze %dma_wait3A_19 : memref<1x1x80x128xi32, #tpu.memory_space<hbm>> -> memref<80x128xi32, #tpu.memory_space<hbm>>
      tpu.wait_dma2 semaphore(%run_scoped3A : memref<!tpu.dma_semaphore, #tpu.memory_space<semaphore_mem>>) src(%dma_wait3A_20 : memref<80x128xi32, #tpu.memory_space<hbm>>) dst(%arg8 : memref<80x128xi32, #tpu.memory_space<vmem>>)
      tpu.yield
    }) : () -> ()
    %barrier3A = arith.constant 0 : index
    tpu.barrier barrier_id(%barrier3A)
    %scan3A = arith.constant 0 : i32
    %scan3A_1 = arith.constant 0 : i32
    %scan3A_2 = arith.constant 80 : i32
    %scan3A_3 = arith.addi %scan3A_1, %scan3A_2 : i32
    %scan3A_4 = arith.constant 1 : i32
    scf.for %scan3A_7 = %scan3A_1 to %scan3A_3 step %scan3A_4  : i32 {
      %dma_start3A = arith.constant 0 : i32
      %dma_start3A_8 = tpu.memref_slice %arg7[%scan3A_7, %dma_start3A] : memref<80x128xi32, #tpu.memory_space<vmem>> -> memref<1x128xi32, #tpu.memory_space<vmem>>
      %dma_start3A_9 = tpu.memref_squeeze %dma_start3A_8 : memref<1x128xi32, #tpu.memory_space<vmem>> -> memref<128xi32, #tpu.memory_space<vmem>>
      %dma_start3A_10 = arith.constant 0 : i32
      %dma_start3A_11 = arith.constant 0 : i32
      %dma_start3A_12 = tpu.memref_slice %arg2[%dma_start3A_10, %dma_start3A_11] : memref<10240x128xf32, #tpu.memory_space<hbm>> -> memref<10240x128xf32, #tpu.memory_space<hbm>>
      tpu.enqueue_indirect_dma source(%dma_start3A_12 : memref<10240x128xf32, #tpu.memory_space<hbm>>) target(%arg9 : memref<128x128xf32, #tpu.memory_space<vmem>>) offsets(%dma_start3A_9 : memref<128xi32, #tpu.memory_space<vmem>>) semaphore(%arg11 : memref<!tpu.dma_semaphore, #tpu.memory_space<semaphore_mem>>)
      %dma_wait3A = arith.constant 0 : i32
      %dma_wait3A_13 = tpu.memref_slice %arg7[%scan3A_7, %dma_wait3A] : memref<80x128xi32, #tpu.memory_space<vmem>> -> memref<1x128xi32, #tpu.memory_space<vmem>>
      %dma_wait3A_14 = tpu.memref_squeeze %dma_wait3A_13 : memref<1x128xi32, #tpu.memory_space<vmem>> -> memref<128xi32, #tpu.memory_space<vmem>>
      %dma_wait3A_15 = arith.constant 0 : i32
      %dma_wait3A_16 = arith.constant 0 : i32
      %dma_wait3A_17 = tpu.memref_slice %arg2[%dma_wait3A_15, %dma_wait3A_16] : memref<10240x128xf32, #tpu.memory_space<hbm>> -> memref<10240x128xf32, #tpu.memory_space<hbm>>
      tpu.wait_indirect_dma semaphore(%arg11 : memref<!tpu.dma_semaphore, #tpu.memory_space<semaphore_mem>>) src(%dma_wait3A_17 : memref<10240x128xf32, #tpu.memory_space<hbm>>) dst(%arg9 : memref<128x128xf32, #tpu.memory_space<vmem>>)
      "tpu.region"() ({
        %run_scoped3A = tpu.sem_alloc : memref<!tpu.dma_semaphore, #tpu.memory_space<semaphore_mem>>
        %dma_start3A_18 = arith.constant 0 : i32
        %dma_start3A_19 = tpu.memref_slice %arg8[%scan3A_7, %dma_start3A_18] : memref<80x128xi32, #tpu.memory_space<vmem>> -> memref<1x128xi32, #tpu.memory_space<vmem>>
        %dma_start3A_20 = tpu.memref_squeeze %dma_start3A_19 : memref<1x128xi32, #tpu.memory_space<vmem>> -> memref<128xi32, #tpu.memory_space<vmem>>
        %dma_start3A_21 = arith.constant 0 : i32
        %dma_start3A_22 = arith.constant 0 : i32
        %dma_start3A_23 = tpu.memref_slice %arg10[%dma_start3A_21, %dma_start3A_22] : memref<10240x128xf32, #tpu.memory_space<vmem_shared>> -> memref<10240x128xf32, #tpu.memory_space<vmem_shared>>
        tpu.enqueue_indirect_dma source(%arg9 : memref<128x128xf32, #tpu.memory_space<vmem>>) target(%dma_start3A_23 : memref<10240x128xf32, #tpu.memory_space<vmem_shared>>) offsets(%dma_start3A_20 : memref<128xi32, #tpu.memory_space<vmem>>) semaphore(%run_scoped3A : memref<!tpu.dma_semaphore, #tpu.memory_space<semaphore_mem>>) {add = true}
        %dma_wait3A_24 = arith.constant 0 : i32
        %dma_wait3A_25 = tpu.memref_slice %arg8[%scan3A_7, %dma_wait3A_24] : memref<80x128xi32, #tpu.memory_space<vmem>> -> memref<1x128xi32, #tpu.memory_space<vmem>>
        %dma_wait3A_26 = tpu.memref_squeeze %dma_wait3A_25 : memref<1x128xi32, #tpu.memory_space<vmem>> -> memref<128xi32, #tpu.memory_space<vmem>>
        %dma_wait3A_27 = arith.constant 0 : i32
        %dma_wait3A_28 = arith.constant 0 : i32
        %dma_wait3A_29 = tpu.memref_slice %arg10[%dma_wait3A_27, %dma_wait3A_28] : memref<10240x128xf32, #tpu.memory_space<vmem_shared>> -> memref<10240x128xf32, #tpu.memory_space<vmem_shared>>
        tpu.wait_indirect_dma semaphore(%run_scoped3A : memref<!tpu.dma_semaphore, #tpu.memory_space<semaphore_mem>>) src(%arg9 : memref<128x128xf32, #tpu.memory_space<vmem>>) dst(%dma_wait3A_29 : memref<10240x128xf32, #tpu.memory_space<vmem_shared>>)
        tpu.yield
      }) : () -> ()
    }
    %scan3A_5 = arith.constant 80 : i32
    %barrier3A_6 = arith.constant 0 : index
    tpu.barrier barrier_id(%barrier3A_6)
    "tpu.region"() ({
      %run_scoped3A = tpu.sem_alloc : memref<!tpu.dma_semaphore, #tpu.memory_space<semaphore_mem>>
      %dma_start3A = arith.constant 0 : i32
      %dma_start3A_7 = tpu.memref_slice %arg6[%arg0, %mul3A_0, %dma_start3A] : memref<2x10240x128xf32, #tpu.memory_space<hbm>> -> memref<1x640x128xf32, #tpu.memory_space<hbm>>
      %dma_start3A_8 = tpu.memref_squeeze %dma_start3A_7 : memref<1x640x128xf32, #tpu.memory_space<hbm>> -> memref<640x128xf32, #tpu.memory_space<hbm>>
      %dma_start3A_9 = arith.constant 0 : i32
      %dma_start3A_10 = tpu.memref_slice %arg10[%mul3A_0, %dma_start3A_9] : memref<10240x128xf32, #tpu.memory_space<vmem_shared>> -> memref<640x128xf32, #tpu.memory_space<vmem_shared>>
      tpu.enqueue_dma source(%dma_start3A_10 : memref<640x128xf32, #tpu.memory_space<vmem_shared>>) target(%dma_start3A_8 : memref<640x128xf32, #tpu.memory_space<hbm>>) target_semaphore(%run_scoped3A : memref<!tpu.dma_semaphore, #tpu.memory_space<semaphore_mem>>)
      %dma_wait3A = arith.constant 0 : i32
      %dma_wait3A_11 = tpu.memref_slice %arg6[%arg0, %mul3A_0, %dma_wait3A] : memref<2x10240x128xf32, #tpu.memory_space<hbm>> -> memref<1x640x128xf32, #tpu.memory_space<hbm>>
      %dma_wait3A_12 = tpu.memref_squeeze %dma_wait3A_11 : memref<1x640x128xf32, #tpu.memory_space<hbm>> -> memref<640x128xf32, #tpu.memory_space<hbm>>
      %dma_wait3A_13 = arith.constant 0 : i32
      %dma_wait3A_14 = tpu.memref_slice %arg10[%mul3A_0, %dma_wait3A_13] : memref<10240x128xf32, #tpu.memory_space<vmem_shared>> -> memref<640x128xf32, #tpu.memory_space<vmem_shared>>
      tpu.wait_dma2 semaphore(%run_scoped3A : memref<!tpu.dma_semaphore, #tpu.memory_space<semaphore_mem>>) src(%dma_wait3A_14 : memref<640x128xf32, #tpu.memory_space<vmem_shared>>) dst(%dma_wait3A_12 : memref<640x128xf32, #tpu.memory_space<hbm>>)
      tpu.yield
    }) : () -> ()
    return
  }
}

#map = affine_map<(d0, d1) -> (0, 0)>
#map1 = affine_map<(d0, d1) -> (0, 0, 0, 0)>
#map2 = affine_map<(d0, d1) -> (0, 0, 0)>
module attributes {stable_mosaic.version = 14 : i64} {
  func.func @_sc_scatter_body(%arg0: i32, %arg1: i32, %arg2: memref<10240x128xf32, #tpu.memory_space<hbm>>, %arg3: memref<2x16x80x128xi32, #tpu.memory_space<hbm>>, %arg4: memref<2x16x80x128xi32, #tpu.memory_space<hbm>>, %arg5: memref<10240x128xf32, #tpu.memory_space<hbm>>, %arg6: memref<2x10240x128xf32, #tpu.memory_space<hbm>>, %arg7: memref<80x128xi32, #tpu.memory_space<vmem>>, %arg8: memref<80x128xi32, #tpu.memory_space<vmem>>, %arg9: memref<128x128xf32, #tpu.memory_space<vmem>>, %arg10: memref<10240x128xf32, #tpu.memory_space<vmem_shared>>, %arg11: memref<!tpu.dma_semaphore, #tpu.memory_space<semaphore_mem>>) attributes {dimension_semantics = [#tpu.dimension_semantics<core_parallel>, #tpu.dimension_semantics<subcore_parallel>], iteration_bounds = array<i64: 2, 16>, scalar_prefetch = 0 : i64, scratch_operands = 5 : i64, tpu.core_type = #tpu.core_type<sc_vector_subcore>, window_params = [{transform_indices = #map}, {transform_indices = #map1}, {transform_indices = #map1}, {transform_indices = #map}, {transform_indices = #map2}]} {
    %mul3A = arith.constant 640 : i32
    %mul3A_0 = arith.muli %arg1, %mul3A : i32
    "tpu.region"() ({
      %run_scoped3A = tpu.sem_alloc : memref<!tpu.dma_semaphore, #tpu.memory_space<semaphore_mem>>
      %dma_start3A = arith.constant 0 : i32
      %dma_start3A_7 = tpu.memref_slice %arg10[%mul3A_0, %dma_start3A] : memref<10240x128xf32, #tpu.memory_space<vmem_shared>> -> memref<640x128xf32, #tpu.memory_space<vmem_shared>>
      %dma_start3A_8 = arith.constant 0 : i32
      %dma_start3A_9 = tpu.memref_slice %arg5[%mul3A_0, %dma_start3A_8] : memref<10240x128xf32, #tpu.memory_space<hbm>> -> memref<640x128xf32, #tpu.memory_space<hbm>>
      tpu.enqueue_dma source(%dma_start3A_9 : memref<640x128xf32, #tpu.memory_space<hbm>>) target(%dma_start3A_7 : memref<640x128xf32, #tpu.memory_space<vmem_shared>>) target_semaphore(%run_scoped3A : memref<!tpu.dma_semaphore, #tpu.memory_space<semaphore_mem>>)
      %dma_wait3A = arith.constant 0 : i32
      %dma_wait3A_10 = tpu.memref_slice %arg10[%mul3A_0, %dma_wait3A] : memref<10240x128xf32, #tpu.memory_space<vmem_shared>> -> memref<640x128xf32, #tpu.memory_space<vmem_shared>>
      %dma_wait3A_11 = arith.constant 0 : i32
      %dma_wait3A_12 = tpu.memref_slice %arg5[%mul3A_0, %dma_wait3A_11] : memref<10240x128xf32, #tpu.memory_space<hbm>> -> memref<640x128xf32, #tpu.memory_space<hbm>>
      tpu.wait_dma2 semaphore(%run_scoped3A : memref<!tpu.dma_semaphore, #tpu.memory_space<semaphore_mem>>) src(%dma_wait3A_12 : memref<640x128xf32, #tpu.memory_space<hbm>>) dst(%dma_wait3A_10 : memref<640x128xf32, #tpu.memory_space<vmem_shared>>)
      tpu.yield
    }) : () -> ()
    "tpu.region"() ({
      %run_scoped3A = tpu.sem_alloc : memref<!tpu.dma_semaphore, #tpu.memory_space<semaphore_mem>>
      %dma_start3A = arith.constant 0 : i32
      %dma_start3A_7 = arith.constant 0 : i32
      %dma_start3A_8 = tpu.memref_slice %arg3[%arg0, %arg1, %dma_start3A, %dma_start3A_7] : memref<2x16x80x128xi32, #tpu.memory_space<hbm>> -> memref<1x1x80x128xi32, #tpu.memory_space<hbm>>
      %dma_start3A_9 = tpu.memref_squeeze %dma_start3A_8 : memref<1x1x80x128xi32, #tpu.memory_space<hbm>> -> memref<80x128xi32, #tpu.memory_space<hbm>>
      %dma_start3A_10 = arith.constant 0 : i32
      %dma_start3A_11 = arith.constant 0 : i32
      %dma_start3A_12 = tpu.memref_slice %arg3[%arg0, %arg1, %dma_start3A_10, %dma_start3A_11] : memref<2x16x80x128xi32, #tpu.memory_space<hbm>> -> memref<1x1x80x128xi32, #tpu.memory_space<hbm>>
      %dma_start3A_13 = tpu.memref_squeeze %dma_start3A_12 : memref<1x1x80x128xi32, #tpu.memory_space<hbm>> -> memref<80x128xi32, #tpu.memory_space<hbm>>
      tpu.enqueue_dma source(%dma_start3A_13 : memref<80x128xi32, #tpu.memory_space<hbm>>) target(%arg7 : memref<80x128xi32, #tpu.memory_space<vmem>>) target_semaphore(%run_scoped3A : memref<!tpu.dma_semaphore, #tpu.memory_space<semaphore_mem>>)
      %dma_wait3A = arith.constant 0 : i32
      %dma_wait3A_14 = arith.constant 0 : i32
      %dma_wait3A_15 = tpu.memref_slice %arg3[%arg0, %arg1, %dma_wait3A, %dma_wait3A_14] : memref<2x16x80x128xi32, #tpu.memory_space<hbm>> -> memref<1x1x80x128xi32, #tpu.memory_space<hbm>>
      %dma_wait3A_16 = tpu.memref_squeeze %dma_wait3A_15 : memref<1x1x80x128xi32, #tpu.memory_space<hbm>> -> memref<80x128xi32, #tpu.memory_space<hbm>>
      %dma_wait3A_17 = arith.constant 0 : i32
      %dma_wait3A_18 = arith.constant 0 : i32
      %dma_wait3A_19 = tpu.memref_slice %arg3[%arg0, %arg1, %dma_wait3A_17, %dma_wait3A_18] : memref<2x16x80x128xi32, #tpu.memory_space<hbm>> -> memref<1x1x80x128xi32, #tpu.memory_space<hbm>>
      %dma_wait3A_20 = tpu.memref_squeeze %dma_wait3A_19 : memref<1x1x80x128xi32, #tpu.memory_space<hbm>> -> memref<80x128xi32, #tpu.memory_space<hbm>>
      tpu.wait_dma2 semaphore(%run_scoped3A : memref<!tpu.dma_semaphore, #tpu.memory_space<semaphore_mem>>) src(%dma_wait3A_20 : memref<80x128xi32, #tpu.memory_space<hbm>>) dst(%arg7 : memref<80x128xi32, #tpu.memory_space<vmem>>)
      tpu.yield
    }) : () -> ()
    "tpu.region"() ({
      %run_scoped3A = tpu.sem_alloc : memref<!tpu.dma_semaphore, #tpu.memory_space<semaphore_mem>>
      %dma_start3A = arith.constant 0 : i32
      %dma_start3A_7 = arith.constant 0 : i32
      %dma_start3A_8 = tpu.memref_slice %arg4[%arg0, %arg1, %dma_start3A, %dma_start3A_7] : memref<2x16x80x128xi32, #tpu.memory_space<hbm>> -> memref<1x1x80x128xi32, #tpu.memory_space<hbm>>
      %dma_start3A_9 = tpu.memref_squeeze %dma_start3A_8 : memref<1x1x80x128xi32, #tpu.memory_space<hbm>> -> memref<80x128xi32, #tpu.memory_space<hbm>>
      %dma_start3A_10 = arith.constant 0 : i32
      %dma_start3A_11 = arith.constant 0 : i32
      %dma_start3A_12 = tpu.memref_slice %arg4[%arg0, %arg1, %dma_start3A_10, %dma_start3A_11] : memref<2x16x80x128xi32, #tpu.memory_space<hbm>> -> memref<1x1x80x128xi32, #tpu.memory_space<hbm>>
      %dma_start3A_13 = tpu.memref_squeeze %dma_start3A_12 : memref<1x1x80x128xi32, #tpu.memory_space<hbm>> -> memref<80x128xi32, #tpu.memory_space<hbm>>
      tpu.enqueue_dma source(%dma_start3A_13 : memref<80x128xi32, #tpu.memory_space<hbm>>) target(%arg8 : memref<80x128xi32, #tpu.memory_space<vmem>>) target_semaphore(%run_scoped3A : memref<!tpu.dma_semaphore, #tpu.memory_space<semaphore_mem>>)
      %dma_wait3A = arith.constant 0 : i32
      %dma_wait3A_14 = arith.constant 0 : i32
      %dma_wait3A_15 = tpu.memref_slice %arg4[%arg0, %arg1, %dma_wait3A, %dma_wait3A_14] : memref<2x16x80x128xi32, #tpu.memory_space<hbm>> -> memref<1x1x80x128xi32, #tpu.memory_space<hbm>>
      %dma_wait3A_16 = tpu.memref_squeeze %dma_wait3A_15 : memref<1x1x80x128xi32, #tpu.memory_space<hbm>> -> memref<80x128xi32, #tpu.memory_space<hbm>>
      %dma_wait3A_17 = arith.constant 0 : i32
      %dma_wait3A_18 = arith.constant 0 : i32
      %dma_wait3A_19 = tpu.memref_slice %arg4[%arg0, %arg1, %dma_wait3A_17, %dma_wait3A_18] : memref<2x16x80x128xi32, #tpu.memory_space<hbm>> -> memref<1x1x80x128xi32, #tpu.memory_space<hbm>>
      %dma_wait3A_20 = tpu.memref_squeeze %dma_wait3A_19 : memref<1x1x80x128xi32, #tpu.memory_space<hbm>> -> memref<80x128xi32, #tpu.memory_space<hbm>>
      tpu.wait_dma2 semaphore(%run_scoped3A : memref<!tpu.dma_semaphore, #tpu.memory_space<semaphore_mem>>) src(%dma_wait3A_20 : memref<80x128xi32, #tpu.memory_space<hbm>>) dst(%arg8 : memref<80x128xi32, #tpu.memory_space<vmem>>)
      tpu.yield
    }) : () -> ()
    %barrier3A = arith.constant 0 : index
    tpu.barrier barrier_id(%barrier3A)
    %scan3A = arith.constant 0 : i32
    %scan3A_1 = arith.constant 0 : i32
    %scan3A_2 = arith.constant 80 : i32
    %scan3A_3 = arith.addi %scan3A_1, %scan3A_2 : i32
    %scan3A_4 = arith.constant 1 : i32
    scf.for %scan3A_7 = %scan3A_1 to %scan3A_3 step %scan3A_4  : i32 {
      %dma_start3A = arith.constant 0 : i32
      %dma_start3A_8 = tpu.memref_slice %arg7[%scan3A_7, %dma_start3A] : memref<80x128xi32, #tpu.memory_space<vmem>> -> memref<1x128xi32, #tpu.memory_space<vmem>>
      %dma_start3A_9 = tpu.memref_squeeze %dma_start3A_8 : memref<1x128xi32, #tpu.memory_space<vmem>> -> memref<128xi32, #tpu.memory_space<vmem>>
      %dma_start3A_10 = arith.constant 0 : i32
      %dma_start3A_11 = arith.constant 0 : i32
      %dma_start3A_12 = tpu.memref_slice %arg2[%dma_start3A_10, %dma_start3A_11] : memref<10240x128xf32, #tpu.memory_space<hbm>> -> memref<10240x128xf32, #tpu.memory_space<hbm>>
      tpu.enqueue_indirect_dma source(%dma_start3A_12 : memref<10240x128xf32, #tpu.memory_space<hbm>>) target(%arg9 : memref<128x128xf32, #tpu.memory_space<vmem>>) offsets(%dma_start3A_9 : memref<128xi32, #tpu.memory_space<vmem>>) semaphore(%arg11 : memref<!tpu.dma_semaphore, #tpu.memory_space<semaphore_mem>>)
      %dma_wait3A = arith.constant 0 : i32
      %dma_wait3A_13 = tpu.memref_slice %arg7[%scan3A_7, %dma_wait3A] : memref<80x128xi32, #tpu.memory_space<vmem>> -> memref<1x128xi32, #tpu.memory_space<vmem>>
      %dma_wait3A_14 = tpu.memref_squeeze %dma_wait3A_13 : memref<1x128xi32, #tpu.memory_space<vmem>> -> memref<128xi32, #tpu.memory_space<vmem>>
      %dma_wait3A_15 = arith.constant 0 : i32
      %dma_wait3A_16 = arith.constant 0 : i32
      %dma_wait3A_17 = tpu.memref_slice %arg2[%dma_wait3A_15, %dma_wait3A_16] : memref<10240x128xf32, #tpu.memory_space<hbm>> -> memref<10240x128xf32, #tpu.memory_space<hbm>>
      tpu.wait_indirect_dma semaphore(%arg11 : memref<!tpu.dma_semaphore, #tpu.memory_space<semaphore_mem>>) src(%dma_wait3A_17 : memref<10240x128xf32, #tpu.memory_space<hbm>>) dst(%arg9 : memref<128x128xf32, #tpu.memory_space<vmem>>)
      "tpu.region"() ({
        %run_scoped3A = tpu.sem_alloc : memref<!tpu.dma_semaphore, #tpu.memory_space<semaphore_mem>>
        %dma_start3A_18 = arith.constant 0 : i32
        %dma_start3A_19 = tpu.memref_slice %arg8[%scan3A_7, %dma_start3A_18] : memref<80x128xi32, #tpu.memory_space<vmem>> -> memref<1x128xi32, #tpu.memory_space<vmem>>
        %dma_start3A_20 = tpu.memref_squeeze %dma_start3A_19 : memref<1x128xi32, #tpu.memory_space<vmem>> -> memref<128xi32, #tpu.memory_space<vmem>>
        %dma_start3A_21 = arith.constant 0 : i32
        %dma_start3A_22 = arith.constant 0 : i32
        %dma_start3A_23 = tpu.memref_slice %arg10[%dma_start3A_21, %dma_start3A_22] : memref<10240x128xf32, #tpu.memory_space<vmem_shared>> -> memref<10240x128xf32, #tpu.memory_space<vmem_shared>>
        tpu.enqueue_indirect_dma source(%arg9 : memref<128x128xf32, #tpu.memory_space<vmem>>) target(%dma_start3A_23 : memref<10240x128xf32, #tpu.memory_space<vmem_shared>>) offsets(%dma_start3A_20 : memref<128xi32, #tpu.memory_space<vmem>>) semaphore(%run_scoped3A : memref<!tpu.dma_semaphore, #tpu.memory_space<semaphore_mem>>) {add = true}
        %dma_wait3A_24 = arith.constant 0 : i32
        %dma_wait3A_25 = tpu.memref_slice %arg8[%scan3A_7, %dma_wait3A_24] : memref<80x128xi32, #tpu.memory_space<vmem>> -> memref<1x128xi32, #tpu.memory_space<vmem>>
        %dma_wait3A_26 = tpu.memref_squeeze %dma_wait3A_25 : memref<1x128xi32, #tpu.memory_space<vmem>> -> memref<128xi32, #tpu.memory_space<vmem>>
        %dma_wait3A_27 = arith.constant 0 : i32
        %dma_wait3A_28 = arith.constant 0 : i32
        %dma_wait3A_29 = tpu.memref_slice %arg10[%dma_wait3A_27, %dma_wait3A_28] : memref<10240x128xf32, #tpu.memory_space<vmem_shared>> -> memref<10240x128xf32, #tpu.memory_space<vmem_shared>>
        tpu.wait_indirect_dma semaphore(%run_scoped3A : memref<!tpu.dma_semaphore, #tpu.memory_space<semaphore_mem>>) src(%arg9 : memref<128x128xf32, #tpu.memory_space<vmem>>) dst(%dma_wait3A_29 : memref<10240x128xf32, #tpu.memory_space<vmem_shared>>)
        tpu.yield
      }) : () -> ()
    }
    %scan3A_5 = arith.constant 80 : i32
    %barrier3A_6 = arith.constant 0 : index
    tpu.barrier barrier_id(%barrier3A_6)
    "tpu.region"() ({
      %run_scoped3A = tpu.sem_alloc : memref<!tpu.dma_semaphore, #tpu.memory_space<semaphore_mem>>
      %dma_start3A = arith.constant 0 : i32
      %dma_start3A_7 = tpu.memref_slice %arg6[%arg0, %mul3A_0, %dma_start3A] : memref<2x10240x128xf32, #tpu.memory_space<hbm>> -> memref<1x640x128xf32, #tpu.memory_space<hbm>>
      %dma_start3A_8 = tpu.memref_squeeze %dma_start3A_7 : memref<1x640x128xf32, #tpu.memory_space<hbm>> -> memref<640x128xf32, #tpu.memory_space<hbm>>
      %dma_start3A_9 = arith.constant 0 : i32
      %dma_start3A_10 = tpu.memref_slice %arg10[%mul3A_0, %dma_start3A_9] : memref<10240x128xf32, #tpu.memory_space<vmem_shared>> -> memref<640x128xf32, #tpu.memory_space<vmem_shared>>
      tpu.enqueue_dma source(%dma_start3A_10 : memref<640x128xf32, #tpu.memory_space<vmem_shared>>) target(%dma_start3A_8 : memref<640x128xf32, #tpu.memory_space<hbm>>) target_semaphore(%run_scoped3A : memref<!tpu.dma_semaphore, #tpu.memory_space<semaphore_mem>>)
      %dma_wait3A = arith.constant 0 : i32
      %dma_wait3A_11 = tpu.memref_slice %arg6[%arg0, %mul3A_0, %dma_wait3A] : memref<2x10240x128xf32, #tpu.memory_space<hbm>> -> memref<1x640x128xf32, #tpu.memory_space<hbm>>
      %dma_wait3A_12 = tpu.memref_squeeze %dma_wait3A_11 : memref<1x640x128xf32, #tpu.memory_space<hbm>> -> memref<640x128xf32, #tpu.memory_space<hbm>>
      %dma_wait3A_13 = arith.constant 0 : i32
      %dma_wait3A_14 = tpu.memref_slice %arg10[%mul3A_0, %dma_wait3A_13] : memref<10240x128xf32, #tpu.memory_space<vmem_shared>> -> memref<640x128xf32, #tpu.memory_space<vmem_shared>>
      tpu.wait_dma2 semaphore(%run_scoped3A : memref<!tpu.dma_semaphore, #tpu.memory_space<semaphore_mem>>) src(%dma_wait3A_14 : memref<640x128xf32, #tpu.memory_space<vmem_shared>>) dst(%dma_wait3A_12 : memref<640x128xf32, #tpu.memory_space<hbm>>)
      tpu.yield
    }) : () -> ()
    return
  }
}

#map = affine_map<(d0, d1) -> (0, 0, 0, 0)>
#map1 = affine_map<(d0, d1) -> (0, 0)>
#map2 = affine_map<(d0, d1) -> (0, 0, 0)>
module attributes {stable_mosaic.version = 14 : i64} {
  func.func @_sc_degrees_body(%arg0: i32, %arg1: i32, %arg2: memref<2x16x160x128xi32, #tpu.memory_space<hbm>>, %arg3: memref<128x128xf32, #tpu.memory_space<hbm>>, %arg4: memref<10240x128xf32, #tpu.memory_space<hbm>>, %arg5: memref<2x10240x128xf32, #tpu.memory_space<hbm>>, %arg6: memref<160x128xi32, #tpu.memory_space<vmem>>, %arg7: memref<128x128xf32, #tpu.memory_space<vmem>>, %arg8: memref<10240x128xf32, #tpu.memory_space<vmem_shared>>, %arg9: memref<!tpu.dma_semaphore, #tpu.memory_space<semaphore_mem>>) attributes {dimension_semantics = [#tpu.dimension_semantics<core_parallel>, #tpu.dimension_semantics<subcore_parallel>], iteration_bounds = array<i64: 2, 16>, scalar_prefetch = 0 : i64, scratch_operands = 4 : i64, tpu.core_type = #tpu.core_type<sc_vector_subcore>, window_params = [{transform_indices = #map}, {transform_indices = #map1}, {transform_indices = #map1}, {transform_indices = #map2}]} {
    %mul3A = arith.constant 640 : i32
    %mul3A_0 = arith.muli %arg1, %mul3A : i32
    "tpu.region"() ({
      %run_scoped3A = tpu.sem_alloc : memref<!tpu.dma_semaphore, #tpu.memory_space<semaphore_mem>>
      %dma_start3A = arith.constant 0 : i32
      %dma_start3A_7 = tpu.memref_slice %arg8[%mul3A_0, %dma_start3A] : memref<10240x128xf32, #tpu.memory_space<vmem_shared>> -> memref<640x128xf32, #tpu.memory_space<vmem_shared>>
      %dma_start3A_8 = arith.constant 0 : i32
      %dma_start3A_9 = tpu.memref_slice %arg4[%mul3A_0, %dma_start3A_8] : memref<10240x128xf32, #tpu.memory_space<hbm>> -> memref<640x128xf32, #tpu.memory_space<hbm>>
      tpu.enqueue_dma source(%dma_start3A_9 : memref<640x128xf32, #tpu.memory_space<hbm>>) target(%dma_start3A_7 : memref<640x128xf32, #tpu.memory_space<vmem_shared>>) target_semaphore(%run_scoped3A : memref<!tpu.dma_semaphore, #tpu.memory_space<semaphore_mem>>)
      %dma_wait3A = arith.constant 0 : i32
      %dma_wait3A_10 = tpu.memref_slice %arg8[%mul3A_0, %dma_wait3A] : memref<10240x128xf32, #tpu.memory_space<vmem_shared>> -> memref<640x128xf32, #tpu.memory_space<vmem_shared>>
      %dma_wait3A_11 = arith.constant 0 : i32
      %dma_wait3A_12 = tpu.memref_slice %arg4[%mul3A_0, %dma_wait3A_11] : memref<10240x128xf32, #tpu.memory_space<hbm>> -> memref<640x128xf32, #tpu.memory_space<hbm>>
      tpu.wait_dma2 semaphore(%run_scoped3A : memref<!tpu.dma_semaphore, #tpu.memory_space<semaphore_mem>>) src(%dma_wait3A_12 : memref<640x128xf32, #tpu.memory_space<hbm>>) dst(%dma_wait3A_10 : memref<640x128xf32, #tpu.memory_space<vmem_shared>>)
      tpu.yield
    }) : () -> ()
    "tpu.region"() ({
      %run_scoped3A = tpu.sem_alloc : memref<!tpu.dma_semaphore, #tpu.memory_space<semaphore_mem>>
      tpu.enqueue_dma source(%arg3 : memref<128x128xf32, #tpu.memory_space<hbm>>) target(%arg7 : memref<128x128xf32, #tpu.memory_space<vmem>>) target_semaphore(%run_scoped3A : memref<!tpu.dma_semaphore, #tpu.memory_space<semaphore_mem>>)
      tpu.wait_dma2 semaphore(%run_scoped3A : memref<!tpu.dma_semaphore, #tpu.memory_space<semaphore_mem>>) src(%arg3 : memref<128x128xf32, #tpu.memory_space<hbm>>) dst(%arg7 : memref<128x128xf32, #tpu.memory_space<vmem>>)
      tpu.yield
    }) : () -> ()
    "tpu.region"() ({
      %run_scoped3A = tpu.sem_alloc : memref<!tpu.dma_semaphore, #tpu.memory_space<semaphore_mem>>
      %dma_start3A = arith.constant 0 : i32
      %dma_start3A_7 = arith.constant 0 : i32
      %dma_start3A_8 = tpu.memref_slice %arg2[%arg0, %arg1, %dma_start3A, %dma_start3A_7] : memref<2x16x160x128xi32, #tpu.memory_space<hbm>> -> memref<1x1x160x128xi32, #tpu.memory_space<hbm>>
      %dma_start3A_9 = tpu.memref_squeeze %dma_start3A_8 : memref<1x1x160x128xi32, #tpu.memory_space<hbm>> -> memref<160x128xi32, #tpu.memory_space<hbm>>
      %dma_start3A_10 = arith.constant 0 : i32
      %dma_start3A_11 = arith.constant 0 : i32
      %dma_start3A_12 = tpu.memref_slice %arg2[%arg0, %arg1, %dma_start3A_10, %dma_start3A_11] : memref<2x16x160x128xi32, #tpu.memory_space<hbm>> -> memref<1x1x160x128xi32, #tpu.memory_space<hbm>>
      %dma_start3A_13 = tpu.memref_squeeze %dma_start3A_12 : memref<1x1x160x128xi32, #tpu.memory_space<hbm>> -> memref<160x128xi32, #tpu.memory_space<hbm>>
      tpu.enqueue_dma source(%dma_start3A_13 : memref<160x128xi32, #tpu.memory_space<hbm>>) target(%arg6 : memref<160x128xi32, #tpu.memory_space<vmem>>) target_semaphore(%run_scoped3A : memref<!tpu.dma_semaphore, #tpu.memory_space<semaphore_mem>>)
      %dma_wait3A = arith.constant 0 : i32
      %dma_wait3A_14 = arith.constant 0 : i32
      %dma_wait3A_15 = tpu.memref_slice %arg2[%arg0, %arg1, %dma_wait3A, %dma_wait3A_14] : memref<2x16x160x128xi32, #tpu.memory_space<hbm>> -> memref<1x1x160x128xi32, #tpu.memory_space<hbm>>
      %dma_wait3A_16 = tpu.memref_squeeze %dma_wait3A_15 : memref<1x1x160x128xi32, #tpu.memory_space<hbm>> -> memref<160x128xi32, #tpu.memory_space<hbm>>
      %dma_wait3A_17 = arith.constant 0 : i32
      %dma_wait3A_18 = arith.constant 0 : i32
      %dma_wait3A_19 = tpu.memref_slice %arg2[%arg0, %arg1, %dma_wait3A_17, %dma_wait3A_18] : memref<2x16x160x128xi32, #tpu.memory_space<hbm>> -> memref<1x1x160x128xi32, #tpu.memory_space<hbm>>
      %dma_wait3A_20 = tpu.memref_squeeze %dma_wait3A_19 : memref<1x1x160x128xi32, #tpu.memory_space<hbm>> -> memref<160x128xi32, #tpu.memory_space<hbm>>
      tpu.wait_dma2 semaphore(%run_scoped3A : memref<!tpu.dma_semaphore, #tpu.memory_space<semaphore_mem>>) src(%dma_wait3A_20 : memref<160x128xi32, #tpu.memory_space<hbm>>) dst(%arg6 : memref<160x128xi32, #tpu.memory_space<vmem>>)
      tpu.yield
    }) : () -> ()
    %barrier3A = arith.constant 0 : index
    tpu.barrier barrier_id(%barrier3A)
    %scan3A = arith.constant 0 : i32
    %scan3A_1 = arith.constant 0 : i32
    %scan3A_2 = arith.constant 160 : i32
    %scan3A_3 = arith.addi %scan3A_1, %scan3A_2 : i32
    %scan3A_4 = arith.constant 1 : i32
    scf.for %scan3A_7 = %scan3A_1 to %scan3A_3 step %scan3A_4  : i32 {
      "tpu.region"() ({
        %run_scoped3A = tpu.sem_alloc : memref<!tpu.dma_semaphore, #tpu.memory_space<semaphore_mem>>
        %dma_start3A = arith.constant 0 : i32
        %dma_start3A_8 = tpu.memref_slice %arg6[%scan3A_7, %dma_start3A] : memref<160x128xi32, #tpu.memory_space<vmem>> -> memref<1x128xi32, #tpu.memory_space<vmem>>
        %dma_start3A_9 = tpu.memref_squeeze %dma_start3A_8 : memref<1x128xi32, #tpu.memory_space<vmem>> -> memref<128xi32, #tpu.memory_space<vmem>>
        %dma_start3A_10 = arith.constant 0 : i32
        %dma_start3A_11 = arith.constant 0 : i32
        %dma_start3A_12 = tpu.memref_slice %arg8[%dma_start3A_10, %dma_start3A_11] : memref<10240x128xf32, #tpu.memory_space<vmem_shared>> -> memref<10240x128xf32, #tpu.memory_space<vmem_shared>>
        tpu.enqueue_indirect_dma source(%arg7 : memref<128x128xf32, #tpu.memory_space<vmem>>) target(%dma_start3A_12 : memref<10240x128xf32, #tpu.memory_space<vmem_shared>>) offsets(%dma_start3A_9 : memref<128xi32, #tpu.memory_space<vmem>>) semaphore(%run_scoped3A : memref<!tpu.dma_semaphore, #tpu.memory_space<semaphore_mem>>) {add = true}
        %dma_wait3A = arith.constant 0 : i32
        %dma_wait3A_13 = tpu.memref_slice %arg6[%scan3A_7, %dma_wait3A] : memref<160x128xi32, #tpu.memory_space<vmem>> -> memref<1x128xi32, #tpu.memory_space<vmem>>
        %dma_wait3A_14 = tpu.memref_squeeze %dma_wait3A_13 : memref<1x128xi32, #tpu.memory_space<vmem>> -> memref<128xi32, #tpu.memory_space<vmem>>
        %dma_wait3A_15 = arith.constant 0 : i32
        %dma_wait3A_16 = arith.constant 0 : i32
        %dma_wait3A_17 = tpu.memref_slice %arg8[%dma_wait3A_15, %dma_wait3A_16] : memref<10240x128xf32, #tpu.memory_space<vmem_shared>> -> memref<10240x128xf32, #tpu.memory_space<vmem_shared>>
        tpu.wait_indirect_dma semaphore(%run_scoped3A : memref<!tpu.dma_semaphore, #tpu.memory_space<semaphore_mem>>) src(%arg7 : memref<128x128xf32, #tpu.memory_space<vmem>>) dst(%dma_wait3A_17 : memref<10240x128xf32, #tpu.memory_space<vmem_shared>>)
        tpu.yield
      }) : () -> ()
    }
    %scan3A_5 = arith.constant 160 : i32
    %barrier3A_6 = arith.constant 0 : index
    tpu.barrier barrier_id(%barrier3A_6)
    "tpu.region"() ({
      %run_scoped3A = tpu.sem_alloc : memref<!tpu.dma_semaphore, #tpu.memory_space<semaphore_mem>>
      %dma_start3A = arith.constant 0 : i32
      %dma_start3A_7 = tpu.memref_slice %arg5[%arg0, %mul3A_0, %dma_start3A] : memref<2x10240x128xf32, #tpu.memory_space<hbm>> -> memref<1x640x128xf32, #tpu.memory_space<hbm>>
      %dma_start3A_8 = tpu.memref_squeeze %dma_start3A_7 : memref<1x640x128xf32, #tpu.memory_space<hbm>> -> memref<640x128xf32, #tpu.memory_space<hbm>>
      %dma_start3A_9 = arith.constant 0 : i32
      %dma_start3A_10 = tpu.memref_slice %arg8[%mul3A_0, %dma_start3A_9] : memref<10240x128xf32, #tpu.memory_space<vmem_shared>> -> memref<640x128xf32, #tpu.memory_space<vmem_shared>>
      tpu.enqueue_dma source(%dma_start3A_10 : memref<640x128xf32, #tpu.memory_space<vmem_shared>>) target(%dma_start3A_8 : memref<640x128xf32, #tpu.memory_space<hbm>>) target_semaphore(%run_scoped3A : memref<!tpu.dma_semaphore, #tpu.memory_space<semaphore_mem>>)
      %dma_wait3A = arith.constant 0 : i32
      %dma_wait3A_11 = tpu.memref_slice %arg5[%arg0, %mul3A_0, %dma_wait3A] : memref<2x10240x128xf32, #tpu.memory_space<hbm>> -> memref<1x640x128xf32, #tpu.memory_space<hbm>>
      %dma_wait3A_12 = tpu.memref_squeeze %dma_wait3A_11 : memref<1x640x128xf32, #tpu.memory_space<hbm>> -> memref<640x128xf32, #tpu.memory_space<hbm>>
      %dma_wait3A_13 = arith.constant 0 : i32
      %dma_wait3A_14 = tpu.memref_slice %arg8[%mul3A_0, %dma_wait3A_13] : memref<10240x128xf32, #tpu.memory_space<vmem_shared>> -> memref<640x128xf32, #tpu.memory_space<vmem_shared>>
      tpu.wait_dma2 semaphore(%run_scoped3A : memref<!tpu.dma_semaphore, #tpu.memory_space<semaphore_mem>>) src(%dma_wait3A_14 : memref<640x128xf32, #tpu.memory_space<vmem_shared>>) dst(%dma_wait3A_12 : memref<640x128xf32, #tpu.memory_space<hbm>>)
      tpu.yield
    }) : () -> ()
    return
  }
}

module attributes {stable_mosaic.version = 14 : i64} {
  func.func @_prep_body(%arg0: i32, %arg1: memref<2x1024x128xf32, #tpu.memory_space<vmem>>, %arg2: memref<1024x1xf32, #tpu.memory_space<vmem>>, %arg3: memref<1024x1xf32, #tpu.memory_space<vmem>>) attributes {dimension_semantics = [#tpu.dimension_semantics<arbitrary>], iteration_bounds = array<i64: 10>, scalar_prefetch = 0 : i64, scratch_operands = 0 : i64, tpu.core_type = #tpu.core_type<tc>, window_params = [{transform_indices = @transform_0, window_bounds = array<i64: 2, 1024, 128>}, {transform_indices = @transform_1, window_bounds = array<i64: 1024, 1>}, {transform_indices = @transform_2, window_bounds = array<i64: 1024, 1>}]} {
    %mul3A = arith.constant 1024 : i32
    %mul3A_0 = arith.muli %arg0, %mul3A : i32
    %iota3A = tpu.iota {dimensions = array<i32: 0>} : vector<1024x1xi32>
    %add3A = vector.broadcast %mul3A_0 : i32 to vector<1024x1xi32>
    %add3A_1 = arith.addi %add3A, %iota3A : vector<1024x1xi32>
    %lt3A = arith.constant 10000 : i32
    %lt3A_2 = vector.broadcast %lt3A : i32 to vector<1024x1xi32>
    %lt3A_3 = arith.cmpi slt, %add3A_1, %lt3A_2 : vector<1024x1xi32>
    %get3A = arith.constant 0 : index
    %get3A_4 = arith.constant 0 : index
    %get3A_5 = arith.constant 0 : index
    %get3A_6 = vector.load %arg1[%get3A, %get3A_4, %get3A_5] : memref<2x1024x128xf32, #tpu.memory_space<vmem>>, vector<1x1024x1xf32>
    %get3A_7 = vector.shape_cast %get3A_6 : vector<1x1024x1xf32> to vector<1024x1xf32>
    %max3A = arith.constant 1.000000e+00 : f32
    %max3A_8 = vector.broadcast %max3A : f32 to vector<1024x1xf32>
    %max3A_9 = arith.maximumf %get3A_7, %max3A_8 : vector<1024x1xf32>
    %rsqrt3A = math.rsqrt %max3A_9 : vector<1024x1xf32>
    %jit3A = arith.constant 0.000000e+00 : f32
    %broadcast_in_dim3A = vector.broadcast %jit3A : f32 to vector<1024x1xf32>
    %select_n3A = arith.select %lt3A_3, %rsqrt3A, %broadcast_in_dim3A : vector<1024x1xi1>, vector<1024x1xf32>
    %swap3A = arith.constant 0 : index
    %swap3A_10 = arith.constant 0 : index
    %swap3A_11 = vector.load %arg2[%swap3A, %swap3A_10] : memref<1024x1xf32, #tpu.memory_space<vmem>>, vector<1024x1xf32>
    tpu.vector_store %arg2[%swap3A, %swap3A_10], %select_n3A {strides = array<i32>} : memref<1024x1xf32, #tpu.memory_space<vmem>>, vector<1024x1xf32>,
    %get3A_12 = arith.constant 1 : index
    %get3A_13 = arith.constant 0 : index
    %get3A_14 = arith.constant 0 : index
    %get3A_15 = vector.load %arg1[%get3A_12, %get3A_13, %get3A_14] : memref<2x1024x128xf32, #tpu.memory_space<vmem>>, vector<1x1024x1xf32>
    %get3A_16 = vector.shape_cast %get3A_15 : vector<1x1024x1xf32> to vector<1024x1xf32>
    %max3A_17 = arith.constant 1.000000e+00 : f32
    %max3A_18 = vector.broadcast %max3A_17 : f32 to vector<1024x1xf32>
    %max3A_19 = arith.maximumf %get3A_16, %max3A_18 : vector<1024x1xf32>
    %rsqrt3A_20 = math.rsqrt %max3A_19 : vector<1024x1xf32>
    %jit3A_21 = arith.constant 0.000000e+00 : f32
    %broadcast_in_dim3A_22 = vector.broadcast %jit3A_21 : f32 to vector<1024x1xf32>
    %select_n3A_23 = arith.select %lt3A_3, %rsqrt3A_20, %broadcast_in_dim3A_22 : vector<1024x1xi1>, vector<1024x1xf32>
    %swap3A_24 = arith.constant 0 : index
    %swap3A_25 = arith.constant 0 : index
    %swap3A_26 = vector.load %arg3[%swap3A_24, %swap3A_25] : memref<1024x1xf32, #tpu.memory_space<vmem>>, vector<1024x1xf32>
    tpu.vector_store %arg3[%swap3A_24, %swap3A_25], %select_n3A_23 {strides = array<i32>} : memref<1024x1xf32, #tpu.memory_space<vmem>>, vector<1024x1xf32>,
    return
  }
  func.func @transform_0(%arg0: i32) -> (i32, i32, i32) {
    %c0_i32 = arith.constant 0 : i32
    %c0_i32_0 = arith.constant 0 : i32
    %c0_i32_1 = arith.constant 0 : i32
    return %c0_i32, %arg0, %c0_i32_0 : i32, i32, i32
  }
  func.func @transform_1(%arg0: i32) -> (i32, i32) {
    %c0_i32 = arith.constant 0 : i32
    %c0_i32_0 = arith.constant 0 : i32
    return %arg0, %c0_i32 : i32, i32
  }
  func.func @transform_2(%arg0: i32) -> (i32, i32) {
    %c0_i32 = arith.constant 0 : i32
    %c0_i32_0 = arith.constant 0 : i32
    return %arg0, %c0_i32 : i32, i32
  }
}

module attributes {stable_mosaic.version = 14 : i64} {
  func.func @_stage0_body(%arg0: i32, %arg1: memref<1024x128xf32, #tpu.memory_space<vmem>>, %arg2: memref<1024x1xf32, #tpu.memory_space<vmem>>, %arg3: memref<128x128xf32, #tpu.memory_space<vmem>>, %arg4: memref<1024x128xf32, #tpu.memory_space<vmem>>) attributes {dimension_semantics = [#tpu.dimension_semantics<arbitrary>], iteration_bounds = array<i64: 10>, scalar_prefetch = 0 : i64, scratch_operands = 0 : i64, tpu.core_type = #tpu.core_type<tc>, window_params = [{transform_indices = @transform_0, window_bounds = array<i64: 1024, 128>}, {transform_indices = @transform_1, window_bounds = array<i64: 1024, 1>}, {pipeline_mode = #tpu.pipeline_mode<synchronous>, transform_indices = @transform_2, window_bounds = array<i64: 128, 128>}, {transform_indices = @transform_3, window_bounds = array<i64: 1024, 128>}]} {
    %get3A = arith.constant 0 : index
    %get3A_0 = arith.constant 0 : index
    %get3A_1 = vector.load %arg1[%get3A, %get3A_0] : memref<1024x128xf32, #tpu.memory_space<vmem>>, vector<1024x128xf32>
    %get3A_2 = arith.constant 0 : index
    %get3A_3 = arith.constant 0 : index
    %get3A_4 = vector.load %arg2[%get3A_2, %get3A_3] : memref<1024x1xf32, #tpu.memory_space<vmem>>, vector<1024x1xf32>
    %mul3A = vector.broadcast %get3A_4 : vector<1024x1xf32> to vector<1024x128xf32>
    %mul3A_5 = arith.mulf %get3A_1, %mul3A : vector<1024x128xf32>
    %get3A_6 = arith.constant 0 : index
    %get3A_7 = arith.constant 0 : index
    %get3A_8 = vector.load %arg3[%get3A_6, %get3A_7] : memref<128x128xf32, #tpu.memory_space<vmem>>, vector<128x128xf32>
    %dot_general3A = arith.constant dense<0.000000e+00> : vector<1024x128xf32>
    %dot_general3A_9 = tpu.matmul %mul3A_5, %get3A_8, %dot_general3A {dimension_numbers = #tpu.dot_dimension_numbers<[1], [0], [0], [1], [0, 0, 1, 1], [], []>, transpose_lhs_hint = false} : vector<1024x128xf32>, vector<128x128xf32>, vector<1024x128xf32> -> vector<1024x128xf32>
    %swap3A = arith.constant 0 : index
    %swap3A_10 = arith.constant 0 : index
    %swap3A_11 = vector.load %arg4[%swap3A, %swap3A_10] : memref<1024x128xf32, #tpu.memory_space<vmem>>, vector<1024x128xf32>
    tpu.vector_store %arg4[%swap3A, %swap3A_10], %dot_general3A_9 {strides = array<i32>} : memref<1024x128xf32, #tpu.memory_space<vmem>>, vector<1024x128xf32>,
    return
  }
  func.func @transform_0(%arg0: i32) -> (i32, i32) {
    %c0_i32 = arith.constant 0 : i32
    %c0_i32_0 = arith.constant 0 : i32
    return %arg0, %c0_i32 : i32, i32
  }
  func.func @transform_1(%arg0: i32) -> (i32, i32) {
    %c0_i32 = arith.constant 0 : i32
    %c0_i32_0 = arith.constant 0 : i32
    return %arg0, %c0_i32 : i32, i32
  }
  func.func @transform_2(%arg0: i32) -> (i32, i32) {
    %c0_i32 = arith.constant 0 : i32
    %c0_i32_0 = arith.constant 0 : i32
    %c0_i32_1 = arith.constant 0 : i32
    return %c0_i32, %c0_i32_0 : i32, i32
  }
  func.func @transform_3(%arg0: i32) -> (i32, i32) {
    %c0_i32 = arith.constant 0 : i32
    %c0_i32_0 = arith.constant 0 : i32
    return %arg0, %c0_i32 : i32, i32
  }
}

module attributes {stable_mosaic.version = 14 : i64} {
  func.func @_stage_body(%arg0: i32, %arg1: memref<2x1024x128xf32, #tpu.memory_space<vmem>>, %arg2: memref<1024x1xf32, #tpu.memory_space<vmem>>, %arg3: memref<1024x1xf32, #tpu.memory_space<vmem>>, %arg4: memref<1x128xf32, #tpu.memory_space<vmem>>, %arg5: memref<128x128xf32, #tpu.memory_space<vmem>>, %arg6: memref<1024x128xf32, #tpu.memory_space<vmem>>) attributes {dimension_semantics = [#tpu.dimension_semantics<arbitrary>], iteration_bounds = array<i64: 10>, scalar_prefetch = 0 : i64, scratch_operands = 0 : i64, tpu.core_type = #tpu.core_type<tc>, window_params = [{transform_indices = @transform_0, window_bounds = array<i64: 2, 1024, 128>}, {transform_indices = @transform_1, window_bounds = array<i64: 1024, 1>}, {transform_indices = @transform_2, window_bounds = array<i64: 1024, 1>}, {pipeline_mode = #tpu.pipeline_mode<synchronous>, transform_indices = @transform_3, window_bounds = array<i64: 1, 128>}, {pipeline_mode = #tpu.pipeline_mode<synchronous>, transform_indices = @transform_4, window_bounds = array<i64: 128, 128>}, {transform_indices = @transform_5, window_bounds = array<i64: 1024, 128>}]} {
    %get3A = arith.constant 0 : index
    %get3A_0 = arith.constant 0 : index
    %get3A_1 = arith.constant 0 : index
    %get3A_2 = vector.load %arg1[%get3A, %get3A_0, %get3A_1] : memref<2x1024x128xf32, #tpu.memory_space<vmem>>, vector<1x1024x128xf32>
    %get3A_3 = vector.shape_cast %get3A_2 : vector<1x1024x128xf32> to vector<1024x128xf32>
    %get3A_4 = arith.constant 1 : index
    %get3A_5 = arith.constant 0 : index
    %get3A_6 = arith.constant 0 : index
    %get3A_7 = vector.load %arg1[%get3A_4, %get3A_5, %get3A_6] : memref<2x1024x128xf32, #tpu.memory_space<vmem>>, vector<1x1024x128xf32>
    %get3A_8 = vector.shape_cast %get3A_7 : vector<1x1024x128xf32> to vector<1024x128xf32>
    %add3A = arith.addf %get3A_3, %get3A_8 : vector<1024x128xf32>
    %get3A_9 = arith.constant 0 : index
    %get3A_10 = arith.constant 0 : index
    %get3A_11 = vector.load %arg2[%get3A_9, %get3A_10] : memref<1024x1xf32, #tpu.memory_space<vmem>>, vector<1024x1xf32>
    %mul3A = vector.broadcast %get3A_11 : vector<1024x1xf32> to vector<1024x128xf32>
    %mul3A_12 = arith.mulf %add3A, %mul3A : vector<1024x128xf32>
    %get3A_13 = arith.constant 0 : index
    %get3A_14 = arith.constant 0 : index
    %get3A_15 = vector.load %arg4[%get3A_13, %get3A_14] : memref<1x128xf32, #tpu.memory_space<vmem>>, vector<1x128xf32>
    %add3A_16 = vector.broadcast %get3A_15 : vector<1x128xf32> to vector<1024x128xf32>
    %add3A_17 = arith.addf %mul3A_12, %add3A_16 : vector<1024x128xf32>
    %max3A = arith.constant 0.000000e+00 : f32
    %max3A_18 = vector.broadcast %max3A : f32 to vector<1024x128xf32>
    %max3A_19 = arith.maximumf %add3A_17, %max3A_18 : vector<1024x128xf32>
    %get3A_20 = arith.constant 0 : index
    %get3A_21 = arith.constant 0 : index
    %get3A_22 = vector.load %arg3[%get3A_20, %get3A_21] : memref<1024x1xf32, #tpu.memory_space<vmem>>, vector<1024x1xf32>
    %mul3A_23 = vector.broadcast %get3A_22 : vector<1024x1xf32> to vector<1024x128xf32>
    %mul3A_24 = arith.mulf %max3A_19, %mul3A_23 : vector<1024x128xf32>
    %get3A_25 = arith.constant 0 : index
    %get3A_26 = arith.constant 0 : index
    %get3A_27 = vector.load %arg5[%get3A_25, %get3A_26] : memref<128x128xf32, #tpu.memory_space<vmem>>, vector<128x128xf32>
    %dot_general3A = arith.constant dense<0.000000e+00> : vector<1024x128xf32>
    %dot_general3A_28 = tpu.matmul %mul3A_24, %get3A_27, %dot_general3A {dimension_numbers = #tpu.dot_dimension_numbers<[1], [0], [0], [1], [0, 0, 1, 1], [], []>, transpose_lhs_hint = false} : vector<1024x128xf32>, vector<128x128xf32>, vector<1024x128xf32> -> vector<1024x128xf32>
    %swap3A = arith.constant 0 : index
    %swap3A_29 = arith.constant 0 : index
    %swap3A_30 = vector.load %arg6[%swap3A, %swap3A_29] : memref<1024x128xf32, #tpu.memory_space<vmem>>, vector<1024x128xf32>
    tpu.vector_store %arg6[%swap3A, %swap3A_29], %dot_general3A_28 {strides = array<i32>} : memref<1024x128xf32, #tpu.memory_space<vmem>>, vector<1024x128xf32>,
    return
  }
  func.func @transform_0(%arg0: i32) -> (i32, i32, i32) {
    %c0_i32 = arith.constant 0 : i32
    %c0_i32_0 = arith.constant 0 : i32
    %c0_i32_1 = arith.constant 0 : i32
    return %c0_i32, %arg0, %c0_i32_0 : i32, i32, i32
  }
  func.func @transform_1(%arg0: i32) -> (i32, i32) {
    %c0_i32 = arith.constant 0 : i32
    %c0_i32_0 = arith.constant 0 : i32
    return %arg0, %c0_i32 : i32, i32
  }
  func.func @transform_2(%arg0: i32) -> (i32, i32) {
    %c0_i32 = arith.constant 0 : i32
    %c0_i32_0 = arith.constant 0 : i32
    return %arg0, %c0_i32 : i32, i32
  }
  func.func @transform_3(%arg0: i32) -> (i32, i32) {
    %c0_i32 = arith.constant 0 : i32
    %c0_i32_0 = arith.constant 0 : i32
    %c0_i32_1 = arith.constant 0 : i32
    return %c0_i32, %c0_i32_0 : i32, i32
  }
  func.func @transform_4(%arg0: i32) -> (i32, i32) {
    %c0_i32 = arith.constant 0 : i32
    %c0_i32_0 = arith.constant 0 : i32
    %c0_i32_1 = arith.constant 0 : i32
    return %c0_i32, %c0_i32_0 : i32, i32
  }
  func.func @transform_5(%arg0: i32) -> (i32, i32) {
    %c0_i32 = arith.constant 0 : i32
    %c0_i32_0 = arith.constant 0 : i32
    return %arg0, %c0_i32 : i32, i32
  }
}

module attributes {stable_mosaic.version = 14 : i64} {
  func.func @_final_body(%arg0: i32, %arg1: memref<2x1024x128xf32, #tpu.memory_space<vmem>>, %arg2: memref<1024x1xf32, #tpu.memory_space<vmem>>, %arg3: memref<1x128xf32, #tpu.memory_space<vmem>>, %arg4: memref<128x128xf32, #tpu.memory_space<vmem>>, %arg5: memref<1x128xf32, #tpu.memory_space<vmem>>, %arg6: memref<1x128xf32, #tpu.memory_space<vmem>>, %arg7: memref<8x128xf32, #tpu.memory_space<vmem>>) attributes {dimension_semantics = [#tpu.dimension_semantics<arbitrary>], iteration_bounds = array<i64: 10>, scalar_prefetch = 0 : i64, scratch_operands = 1 : i64, tpu.core_type = #tpu.core_type<tc>, window_params = [{transform_indices = @transform_0, window_bounds = array<i64: 2, 1024, 128>}, {transform_indices = @transform_1, window_bounds = array<i64: 1024, 1>}, {pipeline_mode = #tpu.pipeline_mode<synchronous>, transform_indices = @transform_2, window_bounds = array<i64: 1, 128>}, {pipeline_mode = #tpu.pipeline_mode<synchronous>, transform_indices = @transform_3, window_bounds = array<i64: 128, 128>}, {pipeline_mode = #tpu.pipeline_mode<synchronous>, transform_indices = @transform_4, window_bounds = array<i64: 1, 128>}, {pipeline_mode = #tpu.pipeline_mode<synchronous>, transform_indices = @transform_5, window_bounds = array<i64: 1, 128>}]} {
    %eq3A = arith.constant 0 : i32
    %eq3A_0 = arith.cmpi eq, %arg0, %eq3A : i32
    %convert_element_type3A = arith.extui %eq3A_0 : i1 to i32
    %cond3A = arith.constant 0 : i32
    %cond3A_1 = arith.cmpi ne, %convert_element_type3A, %cond3A : i32
    scf.if %cond3A_1 {
      %broadcast_in_dim3A_27 = arith.constant 0.000000e+00 : f32
      %broadcast_in_dim3A_28 = vector.broadcast %broadcast_in_dim3A_27 : f32 to vector<8x128xf32>
      %swap3A_29 = arith.constant 0 : index
      %swap3A_30 = arith.constant 0 : index
      %swap3A_31 = vector.load %arg7[%swap3A_29, %swap3A_30] : memref<8x128xf32, #tpu.memory_space<vmem>>, vector<8x128xf32>
      tpu.vector_store %arg7[%swap3A_29, %swap3A_30], %broadcast_in_dim3A_28 {strides = array<i32>} : memref<8x128xf32, #tpu.memory_space<vmem>>, vector<8x128xf32>,
    } else {
    }
    %get3A = arith.constant 0 : index
    %get3A_2 = arith.constant 0 : index
    %get3A_3 = arith.constant 0 : index
    %get3A_4 = vector.load %arg1[%get3A, %get3A_2, %get3A_3] : memref<2x1024x128xf32, #tpu.memory_space<vmem>>, vector<1x1024x128xf32>
    %get3A_5 = vector.shape_cast %get3A_4 : vector<1x1024x128xf32> to vector<1024x128xf32>
    %get3A_6 = arith.constant 1 : index
    %get3A_7 = arith.constant 0 : index
    %get3A_8 = arith.constant 0 : index
    %get3A_9 = vector.load %arg1[%get3A_6, %get3A_7, %get3A_8] : memref<2x1024x128xf32, #tpu.memory_space<vmem>>, vector<1x1024x128xf32>
    %get3A_10 = vector.shape_cast %get3A_9 : vector<1x1024x128xf32> to vector<1024x128xf32>
    %add3A = arith.addf %get3A_5, %get3A_10 : vector<1024x128xf32>
    %get3A_11 = arith.constant 0 : index
    %get3A_12 = arith.constant 0 : index
    %get3A_13 = vector.load %arg7[%get3A_11, %get3A_12] : memref<8x128xf32, #tpu.memory_space<vmem>>, vector<1x128xf32>
    %get3A_14 = arith.constant 0 : index
    %get3A_15 = arith.constant 0 : index
    %get3A_16 = vector.load %arg2[%get3A_14, %get3A_15] : memref<1024x1xf32, #tpu.memory_space<vmem>>, vector<1024x1xf32>
    %mul3A = vector.broadcast %get3A_16 : vector<1024x1xf32> to vector<1024x128xf32>
    %mul3A_17 = arith.mulf %add3A, %mul3A : vector<1024x128xf32>
    %reduce_sum3A = arith.constant dense<0.000000e+00> : vector<128xf32>
    %reduce_sum3A_18 = vector.multi_reduction <add>, %mul3A_17, %reduce_sum3A [0] : vector<1024x128xf32> to vector<128xf32>
    %broadcast_in_dim3A = vector.shape_cast %reduce_sum3A_18 : vector<128xf32> to vector<1x128xf32>
    %add3A_19 = arith.addf %get3A_13, %broadcast_in_dim3A : vector<1x128xf32>
    %swap3A = arith.constant 0 : index
    %swap3A_20 = arith.constant 0 : index
    %swap3A_21 = vector.load %arg7[%swap3A, %swap3A_20] : memref<8x128xf32, #tpu.memory_space<vmem>>, vector<1x128xf32>
    tpu.vector_store %arg7[%swap3A, %swap3A_20], %add3A_19 {strides = array<i32>} : memref<8x128xf32, #tpu.memory_space<vmem>>, vector<1x128xf32>,
    %eq3A_22 = arith.constant 9 : i32
    %eq3A_23 = arith.cmpi eq, %arg0, %eq3A_22 : i32
    %convert_element_type3A_24 = arith.extui %eq3A_23 : i1 to i32
    %cond3A_25 = arith.constant 0 : i32
    %cond3A_26 = arith.cmpi ne, %convert_element_type3A_24, %cond3A_25 : i32
    scf.if %cond3A_26 {
      %get3A_27 = arith.constant 0 : index
      %get3A_28 = arith.constant 0 : index
      %get3A_29 = vector.load %arg7[%get3A_27, %get3A_28] : memref<8x128xf32, #tpu.memory_space<vmem>>, vector<1x128xf32>
      %get3A_30 = arith.constant 0 : index
      %get3A_31 = arith.constant 0 : index
      %get3A_32 = vector.load %arg3[%get3A_30, %get3A_31] : memref<1x128xf32, #tpu.memory_space<vmem>>, vector<1x128xf32>
      %mul3A_33 = arith.constant 1.000000e+04 : f32
      %mul3A_34 = vector.broadcast %mul3A_33 : f32 to vector<1x128xf32>
      %mul3A_35 = arith.mulf %mul3A_34, %get3A_32 : vector<1x128xf32>
      %add3A_36 = arith.addf %get3A_29, %mul3A_35 : vector<1x128xf32>
      %get3A_37 = arith.constant 0 : index
      %get3A_38 = arith.constant 0 : index
      %get3A_39 = vector.load %arg4[%get3A_37, %get3A_38] : memref<128x128xf32, #tpu.memory_space<vmem>>, vector<128x128xf32>
      %dot_general3A = arith.constant dense<0.000000e+00> : vector<1x128xf32>
      %dot_general3A_40 = tpu.matmul %add3A_36, %get3A_39, %dot_general3A {dimension_numbers = #tpu.dot_dimension_numbers<[1], [0], [0], [1], [0, 0, 1, 1], [], []>, transpose_lhs_hint = false} : vector<1x128xf32>, vector<128x128xf32>, vector<1x128xf32> -> vector<1x128xf32>
      %get3A_41 = arith.constant 0 : index
      %get3A_42 = arith.constant 0 : index
      %get3A_43 = vector.load %arg5[%get3A_41, %get3A_42] : memref<1x128xf32, #tpu.memory_space<vmem>>, vector<1x128xf32>
      %add3A_44 = arith.addf %dot_general3A_40, %get3A_43 : vector<1x128xf32>
      %swap3A_45 = arith.constant 0 : index
      %swap3A_46 = arith.constant 0 : index
      %swap3A_47 = vector.load %arg6[%swap3A_45, %swap3A_46] : memref<1x128xf32, #tpu.memory_space<vmem>>, vector<1x128xf32>
      tpu.vector_store %arg6[%swap3A_45, %swap3A_46], %add3A_44 {strides = array<i32>} : memref<1x128xf32, #tpu.memory_space<vmem>>, vector<1x128xf32>,
    } else {
    }
    return
  }
  func.func @transform_0(%arg0: i32) -> (i32, i32, i32) {
    %c0_i32 = arith.constant 0 : i32
    %c0_i32_0 = arith.constant 0 : i32
    %c0_i32_1 = arith.constant 0 : i32
    return %c0_i32, %arg0, %c0_i32_0 : i32, i32, i32
  }
  func.func @transform_1(%arg0: i32) -> (i32, i32) {
    %c0_i32 = arith.constant 0 : i32
    %c0_i32_0 = arith.constant 0 : i32
    return %arg0, %c0_i32 : i32, i32
  }
  func.func @transform_2(%arg0: i32) -> (i32, i32) {
    %c0_i32 = arith.constant 0 : i32
    %c0_i32_0 = arith.constant 0 : i32
    %c0_i32_1 = arith.constant 0 : i32
    return %c0_i32, %c0_i32_0 : i32, i32
  }
  func.func @transform_3(%arg0: i32) -> (i32, i32) {
    %c0_i32 = arith.constant 0 : i32
    %c0_i32_0 = arith.constant 0 : i32
    %c0_i32_1 = arith.constant 0 : i32
    return %c0_i32, %c0_i32_0 : i32, i32
  }
  func.func @transform_4(%arg0: i32) -> (i32, i32) {
    %c0_i32 = arith.constant 0 : i32
    %c0_i32_0 = arith.constant 0 : i32
    %c0_i32_1 = arith.constant 0 : i32
    return %c0_i32, %c0_i32_0 : i32, i32
  }
  func.func @transform_5(%arg0: i32) -> (i32, i32) {
    %c0_i32 = arith.constant 0 : i32
    %c0_i32_0 = arith.constant 0 : i32
    %c0_i32_1 = arith.constant 0 : i32
    return %c0_i32, %c0_i32_0 : i32, i32
  }
}

</mosaic_0001>

<sc_bundles>
// kernel: _run.11.cloned.1.call-start
scs
__scs_entry_jumppad:
0x0: {  	(pc) =	sbr.rel $0x88, $3  }
0x1: {  	(tag) =	ssettag $0x0;
	lr =	simm.s32 $0x1  }
0x2: {  	[smem:$0x3F97] =	sst lr;
	_ =	strace $0xD0000000  }
0x3: {  	_ = 	snop  }
0x4: {  	_ = 	snop  }
0x5: {  	_ = 	snop  }
0x6: {  	_ = 	snop  }
0x7: {  	_ = 	snop  }
__scs_overlays_trampoline_lowered:
0x8: {  	[smem:$0x3FA6] =	sst s0  }
0x9: {  	[smem:$0x3FA7] =	sst s1  }
0xa: {  	[smem:$0x3FA8] =	sst s2  }
0xb: {  	[smem:$0x3FA9] =	sst s3  }
0xc: {  	[smem:$0x3FAA] =	sst s4  }
0xd: {  	[smem:$0x3FAB] =	sst s5  }
0xe: {  	[smem:$0x3FAC] =	sst s6  }
0xf: {  	[smem:$0x3FAD] =	sst s7  }
0x10: {  	[smem:$0x3FAE] =	sst s8  }
0x11: {  	[smem:$0x3FAF] =	sst s9;
	s0 =	simm.s32 @!p0 $0x0  }
0x12: {  	s1 =	sld [smem:$0x3F95];
	s0 =	simm.s32 @p0 $0x1  }
0x13: {  	[smem:$0x3FB0] =	sst s0;
	s0 =	simm.s32 @!p1 $0x0  }
0x14: {  	s2 =	sld [smem:$0x3F94];
	s0 =	simm.s32 @p1 $0x1  }
0x15: {  	[smem:$0x3FB1] =	sst s0;
	s0 =	simm.s32 @!p2 $0x0  }
0x16: {  	s3 =	sld [smem:$0x3FDB];
	s0 =	simm.s32 @p2 $0x1  }
0x17: {  	s4 =	simm.s32 $0x1BF5;
	[smem:$0x3FB3] =	sst s0  }
0x18: {  	s0 =	sld [smem:$0x3F96];
	_ =	swait.ge [sflag:s4], $0x0  }
0x19: {  	s7 =	sld [smem:$0x3F97]  }
0x1a: {  	s8 =	sadd.s32 $0xFFFFE003, lr  }
0x1b: {  	s9 =	sadd.s32 $0xFFFFFEF7, lr;
	s5 =	simm.s32 $0xFFFFFFFF;
	p2 =	slt.u32 s8, $0xFFFFF086  }
0x1c: {  	p1 =	slt.u32 s9, $0xF7A;
	s5 =	simm.s32 @!p2 $0x0  }
0x1d: {  	s5 =	simm.s32 @p1 $0x1;
	p0 =	seq.s32 s7, s2  }
0x1e: {  	s7 =	smul.u32 @!p0 $0xF7A, s2;
	p2 =	seq.s32 @!p0 s5, $0x0  }
0x1f: {  	s9 =	smul.u32 $0xF7A, s1;
	s8 =	simm.s32 @!p0 $0x1BF5;
	p2 =	por !p2, p0  }
0x20: {  	[sflag:s8] =	ssyncset.s32 @!p0 $0xFFFFF086;
	s6 =	sadd.s32 @!p0 s3, s7;
	s7 =	simm.s32 @!p0 $0x108  }
0x21: {  	s3 =	sadd.s32 s3, s9;
	s6 =	sadd.s32 @!p0 $0x88, s6;
	s7 =	simm.s32 @p2 $0x1082  }
0x22: {  	[simem:s7], [sflag:s8] =	dma.local @!p0 [hbm:s6], $0xF7A  }
0x23: {  	s9 =	sor.u32 $0xD0000000, s2;
	s6 =	simm.s32 $0x108;
	_ =	swait.ge @!p0 [sflag:s8], $0x0  }
0x24: {  	s3 =	sadd.s32 $0x88, s3;
	s6 =	simm.s32 @!p1 $0x1082;
	[sflag:s4] =	ssyncset.s32 $0xFFFFF086  }
0x25: {  	[simem:s6], [sflag:s4] =	dma.local [hbm:s3], $0xF7A  }
0x26: {  	[smem:$0x3F97] =	sst s1;
	(tag) =	ssettag s2;
	_ =	strace s9  }
0x27: {  	s1 =	sld [smem:$0x3FA7]  }
0x28: {  	s2 =	sld [smem:$0x3FA8]  }
0x29: {  	s4 =	sld [smem:$0x3FAA]  }
0x2a: {  	p0 =	seq.s32 s5, $0x0;
	s5 =	sld [smem:$0x3FAB]  }
0x2b: {  	s6 =	sld [smem:$0x3FAC]  }
0x2c: {  	s7 =	sld [smem:$0x3FAD]  }
0x2d: {  	s3 =	simm.s32 $0x108;
	s8 =	sld [smem:$0x3FAE]  }
0x2e: {  	s3 =	simm.s32 @!p0 $0x1082;
	s9 =	sld [smem:$0x3FAF]  }
0x2f: {  	lr =	sadd.s32 s0, s3;
	s0 =	sld [smem:$0x3FA6]  }
0x30: {  	s3 =	sld [smem:$0x3FA9]  }
0x31: {  	[smem:$0x3FB2] =	sst s10  }
0x32: {  	s10 =	sld [smem:$0x3FB0];
	_ =	sdelay $0x3  }
0x33: {  	p0 =	seq.s32 s10, $0x1;
	s10 =	sld [smem:$0x3FB2];
	_ =	sdelay $0x3  }
0x34: {  	[smem:$0x3FB2] =	sst s10  }
0x35: {  	s10 =	sld [smem:$0x3FB1];
	_ =	sdelay $0x3  }
0x36: {  	p1 =	seq.s32 s10, $0x1;
	s10 =	sld [smem:$0x3FB2];
	_ =	sdelay $0x3  }
0x37: {  	[smem:$0x3FB2] =	sst s10  }
0x38: {  	s10 =	sld [smem:$0x3FB3]  }
0x39: {  	_ = 	snop;
	(pc) =	sbr.ind lr, $3  }
0x3a: {  	_ = 	snop  }
0x3b: {  	_ = 	snop  }
0x3c: {  	p2 =	seq.s32 s10, $0x1;
	s10 =	sld [smem:$0x3FB2]  }
0x3d: {  	_ =	shalt  }
0x3e: {  	_ =	shalt  }
0x3f: {  	_ =	shalt  }
0x40: {  	_ =	shalt  }
0x41: {  	_ =	shalt  }
0x42: {  	_ =	shalt  }
0x43: {  	_ =	shalt  }
0x44: {  	_ =	shalt  }
0x45: {  	_ =	shalt  }
0x46: {  	_ =	shalt  }
0x47: {  	_ =	shalt  }
0x48: {  	_ =	shalt  }
0x49: {  	_ =	shalt  }
0x4a: {  	_ =	shalt  }
0x4b: {  	_ =	shalt  }
0x4c: {  	_ =	shalt  }
0x4d: {  	_ =	shalt  }
0x4e: {  	_ =	shalt  }
0x4f: {  	_ =	shalt  }
0x50: {  	_ =	shalt  }
0x51: {  	_ =	shalt  }
0x52: {  	_ =	shalt  }
0x53: {  	_ =	shalt  }
0x54: {  	_ =	shalt  }
0x55: {  	_ =	shalt  }
0x56: {  	_ =	shalt  }
0x57: {  	_ =	shalt  }
0x58: {  	_ =	shalt  }
0x59: {  	_ =	shalt  }
0x5a: {  	_ =	shalt  }
0x5b: {  	_ =	shalt  }
0x5c: {  	_ =	shalt  }
0x5d: {  	_ =	shalt  }
0x5e: {  	_ =	shalt  }
0x5f: {  	_ =	shalt  }
0x60: {  	_ =	shalt  }
0x61: {  	_ =	shalt  }
0x62: {  	_ =	shalt  }
0x63: {  	_ =	shalt  }
0x64: {  	_ =	shalt  }
0x65: {  	_ =	shalt  }
0x66: {  	_ =	shalt  }
0x67: {  	_ =	shalt  }
0x68: {  	_ =	shalt  }
0x69: {  	_ =	shalt  }
0x6a: {  	_ =	shalt  }
0x6b: {  	_ =	shalt  }
0x6c: {  	_ =	shalt  }
0x6d: {  	_ =	shalt  }
0x6e: {  	_ =	shalt  }
0x6f: {  	_ =	shalt  }
0x70: {  	_ =	shalt  }
0x71: {  	_ =	shalt  }
0x72: {  	_ =	shalt  }
0x73: {  	_ =	shalt  }
0x74: {  	_ =	shalt  }
0x75: {  	_ =	shalt  }
0x76: {  	_ =	shalt  }
0x77: {  	_ =	shalt  }
0x78: {  	_ =	shalt  }
0x79: {  	_ =	shalt  }
0x7a: {  	_ =	shalt  }
0x7b: {  	_ =	shalt  }
0x7c: {  	_ =	shalt  }
0x7d: {  	_ =	shalt  }
0x7e: {  	_ =	shalt  }
0x7f: {  	_ =	shalt  }
0x80: {  	_ =	shalt  }
0x81: {  	_ =	shalt  }
0x82: {  	_ =	shalt  }
0x83: {  	_ =	shalt  }
0x84: {  	_ =	shalt  }
0x85: {  	_ =	shalt  }
0x86: {  	_ =	shalt  }
0x87: {  	_ =	shalt  }
.Lfunc_end0:
.L_simem_size_0:
called_computation_lowered:
.L_overlay_start_0:
0x88: {  	s2 =	sld [smem:$0x3FD9]  }
0x89: {  	s3 =	sld [smem:$0x3FFE];
	_ =	sdelay $0x1  }
0x8a: {  	s1 =	srdreg.scid  }
0x8b: {  	s0 =	sand.u32 $0x1, s1  }
0x8c: {  	s16 =	sshll.u32 s0, $0xA;
	s2 =	sadd.s32 s3, s2  }
0x8d: {  	s2 =	sadd.s32 s2, s16  }
0x8e: {  	[smem:$0x3FBE] =	sst s2  }
0x8f: {  	_ = 	snop  }
0x90: {  	(tm) =	ssettm $0x1  }
0x91: {  	s17 =	sld [smem:$0x3FFB];
	_ =	sdelay $0x3  }
0x92: {  	_ =	strace s17  }
0x93: {  	s2 =	sld [smem:$0x3FFC];
	_ =	sdelay $0x3  }
0x94: {  	_ =	strace s2  }
0x95: {  	s2 =	sld [smem:$0x3FFD];
	_ =	sdelay $0x3  }
0x96: {  	_ =	strace s2  }
0x97: {  	_ =	strace $0x8FFFFFFF  }
0x98: {  	s18 =	sld [smem:$0x3FDB];
	_ =	sdelay $0x1  }
0x99: {  	s19 =	simm.s32 $_scs_section_size  }
0x9a: {  	s4 =	simm.s32 $_size__tile_overlayer_lowered;
	s5 =	simm.s32 $_tile_overlayer_lowered  }
0x9b: {  	s22 =	simm.s32 $0x1BFF;
	s21 =	sshll.u32 s5, $0x1;
	s2 =	sadd.s32 s19, s18  }
0x9c: {  	s6 =	simm.s32 $0x0;
	s20 =	sshll.u32 s4, $0x1;
	s4 =	sadd.s32 s21, s2  }
0x9d: {  	[timem:s6], [sflag:s22] =	dma.local [hbm:s4], s20  }
0x9e: {  	_ =	swait.ge [sflag:s22], s20  }
0x9f: {  	s3 =	ssub.s32 $0x0, s20;
	[sflag:s22] =	ssyncset.done $0x0  }
0xa0: {  	[sflag:s22] =	ssyncadd.s32 s3;
	_ =	sdelay $0x1  }
0xa1: {  	s23 =	simm.s32 $0x1B8B  }
0xa2: {  	_ =	swait.ge [sflag:s23], $0x1  }
0xa3: {  	[sflag:s23] =	ssyncset.done $0x0  }
0xa4: {  	s25 =	simm.s32 $0x1B8E;
	s24 =	sld [smem:$0x3FFE];
	[sflag:s23] =	ssyncadd.s32 $0xFFFFFFFF  }
0xa5: {  	s26 =	simm.s32 $execute0_lowered;
	[smem:$0x3FD2] =	sst s25  }
0xa6: {  	s4 =	sshll.u32 s26, $0x1;
	_ =	strace $0x80000046;
	[dreg:$0x1] =	wrdreg $0xFFFFFFFF  }
0xa7: {  	s28 =	simm.s32 $_size_execute0_lowered;
	s2 =	sadd.s32 s2, s4;
	[dreg:$0x0] =	wrdreg $0x0  }
0xa8: {  	s4 =	sshll.u32 s28, $0x1;
	[dreg:$0x2] =	wrdreg s2  }
0xa9: {  	[dreg:$0x3] =	wrdreg s4  }
0xaa: {  	[dreg:$0x4] =	wrdreg $0xC0  }
0xab: {  	_ =	task [dreg:s6], $0x5FFFF  }
0xac: {  	[dreg:$0x1] =	wrdreg $0xFFFFFFFF  }
0xad: {  	[dreg:$0x0] =	wrdreg $0x60  }
0xae: {  	[dreg:$0x2] =	wrdreg s24  }
0xaf: {  	[dreg:$0x3] =	wrdreg $0x90000  }
0xb0: {  	[dreg:$0x4] =	wrdreg $0x9  }
0xb1: {  	_ =	task.clear_ibuf [dreg:s6], $0x5FFFF;
	_ =	strace $0x90000046  }
0xb2: {  	s29 =	simm.s32 $0x9;
	_ =	strace $0x80000048  }
0xb3: {  	_ =	swait.ge [sflag:s29], $0x1  }
0xb4: {  	[sflag:s29] =	ssyncadd.s32 $0xFFFFFFFF  }
0xb5: {  	_ =	strace $0x90000048  }
0xb6: {  	_ =	sfence  }
0xb7: {  	s30 =	sld [smem:$0x0];
	_ =	sdelay $0x2  }
0xb8: {  	s31 =	sshll.u32 s1, $0xD;
	s1 =	sshrl.u32 s1, $0x2  }
0xb9: {  	s3 =	sand.u32 $0x4000, s31;
	s1 =	sadd.s32 s1, s30  }
0xba: {  	s0 =	sor.u32 s3, s0;
	s1 =	sshll.u32 s1, $0x11  }
0xbb: {  	s0 =	sor.u32 s1, s0  }
0xbc: {  	s0 =	sadd.s32 $0x8F2B, s0  }
0xbd: {  	[sflag:s0] =	ssyncadd.remote.s32 $0x1  }
0xbe: {  	_ =	sfence.sel $0xFFFF  }
0xbf: {  	[dreg:$0x0] =	wrdreg $0xFFFFFFFF;
	(pc) =	sbr.abs _section_cstart, $3  }
0xc0: {  	[dreg:$0x1] =	wrdreg $0xFFFFFFFF  }
0xc1: {  	_ =	task.clear_ibuf [dreg:s6], $0x2FFFF;
	_ =	strace $0x9FFFFFFF  }
0xc2: {  	(tm) =	ssettm $0x7FFFFFFF  }
0xc3: {  	_ =	shalt  }
tec
execute0_lowered:
.L_overlay_start_1:
0x0: {  	(tag) =	ssettag $0x1  }
0x1: {  	s0 =	srdreg.scid;
	s5 =	rddreg [dreg:$0x0]  }
0x2: {  	s2 =	rddreg [dreg:$0x1];
	s6 =	sand.u32 $0x1, s0  }
0x3: {  	s0 =	stileid.u32;
	s4 =	smul.u32 $0x50000, s6  }
0x4: {  	s1 =	rddreg [dreg:$0x2];
	s3 =	simm.s32 $0x0;
	s7 =	smul.u32 $0x5000, s0  }
0x5: {  	s14 =	simm.s32 $0x0;
	[smem:$0x7FF] =	sst s3;
	s28 =	smul.u32 $0x14000, s0  }
0x6: {  	_ =	strace $0x80000047;
	s8 =	smul.u32 $0x140000, s6;
	s6 =	ssub.s32 $0x2, s6  }
0x7: {  	s29 =	smul.u32 $0x50000, s0;
	s31 =	sshll.u32 s0, $0x6;
	s11 =	sshrl.u32 s6, $0x1  }
0x8: {  	s4 =	sadd.s32 s7, s4;
	s10 =	sshrl.u32 s28, $0x3;
	s7 =	sadd.s32 s28, s8  }
0x9: {  	s11 =	ssub.s32 s6, s11;
	s30 =	sshrl.u32 s29, $0x2;
	s6 =	sor.u32 $0x1C01, s31  }
0xa: {  	s4 =	sshrl.u32 s4, $0x3;
	s10 =	sadd.s32 s10, s5;
	s7 =	sshrl.u32 s7, $0x3  }
0xb: {  	s13 =	sadd.s32 s30, s2;
	s9 =	sadd.s32 s4, s5;
	s4 =	sadd.s32 $0x2B200, s5  }
0xc: {  	s12 =	sadd.s32 s7, s5;
	s5 =	sadd.s32 $0x2BA00, s10;
	s10 =	sshrl.u32 s13, $0x3  }
0xd: {  	s13 =	simm.s32 $0x80;
	s7 =	sadd.s32 $0x17200, s9;
	s8 =	sadd.s32 $0x53A00, s12  }
0xe: {  	s9 =	smax.u32 s11, $0x1;
	s11 =	simm.s32 $0x1;
	s12 =	simm.s32 $0x5000  }
.LBB2_1:
0xf: {  	[spmem:s10], [sflag:s6] =	dma.local [hbm:s5], $0x2800  }
0x10: {  	_ =	swait.ge [sflag:s11], $0x2800  }
0x11: {  	[sflag:s11] =	ssyncset.done $0x0  }
0x12: {  	[sflag:s11] =	ssyncadd.s32 $0xFFFFD800  }
0x13: {  	[tilespmem:s12], [sflag:$0x1] =	stream.linear.gather [hbm4b:s4+s3], $0x4000, $0x38;
	[tilespmem:$0x1D000] =	vst v63  }
0x14: {  	_ =	swait.ge [sflag:s11], $0x4000  }
0x15: {  	[sflag:s11] =	ssyncset.done $0x0  }
0x16: {  	[sflag:s11] =	ssyncadd.s32 $0xFFFFC000  }
0x17: {  	[tilespmem:s3], [sflag:$0x1] =	stream.linear.gather [hbm4b:s7+s3], $0x5000, $0x38;
	[tilespmem:$0x1D000] =	vst v63  }
0x18: {  	_ =	swait.ge [sflag:s11], $0x5000  }
0x19: {  	[sflag:s11] =	ssyncset.done $0x0  }
0x1a: {  	[sflag:s11] =	ssyncadd.s32 $0xFFFFB000  }
0x1b: {  	s15 =	simm.s32 $0x0;
	[bflag:$0x0] =	sbarrier.arrive $0xFFFF  }
0x1c: {  	[spmem:s2] =	stream.indirect.scatter.add.f32 [tilespmem:s12], [sflag:$0x1], $0x80, s15, s13, $0xb8;
	[tilespmem:$0x1D000] =	vst v63  }
0x1d: {  	_ =	swait.ge [sflag:s11], $0x4000  }
0x1e: {  	s15 =	simm.s32 $0x200;
	[sflag:s11] =	ssyncset.done $0x0  }
.LBB2_2:
0x1f: {  	s16 =	sshra.s32 s15, $0x2;
	[sflag:s11] =	ssyncadd.s32 $0xFFFFC000;
	p0 =	sne.s32 s15, $0x13E00  }
0x20: {  	[spmem:s2] =	stream.indirect.scatter.add.f32 [tilespmem:s12], [sflag:$0x1], $0x80, s16, s13, $0xb8;
	[tilespmem:$0x1D000] =	vst v63  }
.Ltmp0:
0x21: {  	_ = 	snop;
	(pc) =	sbr.rel @p0 .LBB2_2-.Ltmp0, $4  }
0x22: {  	_ = 	snop  }
0x23: {  	s15 =	sadd.s32 $0x200, s15  }
0x24: {  	_ =	swait.ge [sflag:s11], $0x4000  }
0x25: {  	[sflag:s11] =	ssyncset.done $0x0  }
0x26: {  	s14 =	sadd.s32 $0x1, s14  }
0x27: {  	[sflag:s11] =	ssyncadd.s32 $0xFFFFC000;
	p0 =	sne.s32 s14, s9  }
.Ltmp1:
0x28: {  	[bflag:$0x0] =	sbarrier.arrive $0xFFFF;
	(pc) =	sbr.rel @p0 .LBB2_1-.Ltmp1, $4  }
0x29: {  	[hbm:s8], [sflag:s6] =	dma.local [spmem:s10], $0x2800  }
0x2a: {  	_ =	swait.ge [sflag:s11], $0x2800  }
0x2b: {  	[sflag:s11] =	ssyncset.done $0x0  }
0x2c: {  	[sflag:s11] =	ssyncadd.s32 $0xFFFFD800  }
0x2d: {  	_ =	sfence.sel $0x180000  }
0x2e: {  	[bflag:$0x0] =	sbarrier.arrive $0xFFFF  }
0x2f: {  	p0 =	sne.s32 s0, $0x0;
	_ =	strace $0x90000047  }
0x30: {  	s0 =	sadd.s32 @!p0 $0x100000, s1;
	[bflag:$0x2] =	sbarrier.arrive $0xFFFF  }
0x31: {  	[sflag:s0] =	ssyncadd.tile.s32 @!p0 $0x1;
	_ =	shalt  }
.Lfunc_end2:
_tile_overlayer_lowered:
.L_overlay_start_2:
0x32: {  	(tag) =	ssettag $0x2  }
0x33: {  	s0 =	rddreg [dreg:$0x0];
	s2 =	stileid.u32  }
0x34: {  	s1 =	rddreg [dreg:$0x1];
	p0 =	sne.s32 s2, $0x0  }
0x35: {  	s3 =	rddreg [dreg:$0x2];
	[bflag:$0x3] =	sbarrier.arrive $0xFFFF;
	s2 =	simm.s32 @!p0 $0x1C01  }
0x36: {  	[timem:s3], [sflag:s2] =	dma.local @!p0 [hbm:s0], s1  }
0x37: {  	s0 =	simm.s32 @!p0 $0x1  }
0x38: {  	_ =	swait.ge @!p0 [sflag:s0], s1  }
0x39: {  	s1 =	ssub.s32 @!p0 $0x0, s1;
	[sflag:s0] =	ssyncset.done @!p0 $0x0  }
0x3a: {  	[sflag:s0] =	ssyncadd.s32 @!p0 s1  }
0x3b: {  	[bflag:$0x3] =	sbarrier.arrive $0xFFFF  }
0x3c: {  	_ =	shalt  }

// kernel: _run.14.cloned.1.call-start
scs
__scs_entry_jumppad:
0x0: {  	(pc) =	sbr.rel $0x88, $3  }
0x1: {  	(tag) =	ssettag $0x0;
	lr =	simm.s32 $0x1  }
0x2: {  	[smem:$0x3F97] =	sst lr;
	_ =	strace $0xD0000000  }
0x3: {  	_ = 	snop  }
0x4: {  	_ = 	snop  }
0x5: {  	_ = 	snop  }
0x6: {  	_ = 	snop  }
0x7: {  	_ = 	snop  }
__scs_overlays_trampoline_lowered:
0x8: {  	[smem:$0x3FA6] =	sst s0  }
0x9: {  	[smem:$0x3FA7] =	sst s1  }
0xa: {  	[smem:$0x3FA8] =	sst s2  }
0xb: {  	[smem:$0x3FA9] =	sst s3  }
0xc: {  	[smem:$0x3FAA] =	sst s4  }
0xd: {  	[smem:$0x3FAB] =	sst s5  }
0xe: {  	[smem:$0x3FAC] =	sst s6  }
0xf: {  	[smem:$0x3FAD] =	sst s7  }
0x10: {  	[smem:$0x3FAE] =	sst s8  }
0x11: {  	[smem:$0x3FAF] =	sst s9;
	s0 =	simm.s32 @!p0 $0x0  }
0x12: {  	s1 =	sld [smem:$0x3F95];
	s0 =	simm.s32 @p0 $0x1  }
0x13: {  	[smem:$0x3FB0] =	sst s0;
	s0 =	simm.s32 @!p1 $0x0  }
0x14: {  	s2 =	sld [smem:$0x3F94];
	s0 =	simm.s32 @p1 $0x1  }
0x15: {  	[smem:$0x3FB1] =	sst s0;
	s0 =	simm.s32 @!p2 $0x0  }
0x16: {  	s3 =	sld [smem:$0x3FDB];
	s0 =	simm.s32 @p2 $0x1  }
0x17: {  	s4 =	simm.s32 $0x1BF5;
	[smem:$0x3FB3] =	sst s0  }
0x18: {  	s0 =	sld [smem:$0x3F96];
	_ =	swait.ge [sflag:s4], $0x0  }
0x19: {  	s7 =	sld [smem:$0x3F97]  }
0x1a: {  	s8 =	sadd.s32 $0xFFFFE003, lr  }
0x1b: {  	s9 =	sadd.s32 $0xFFFFFEF7, lr;
	s5 =	simm.s32 $0xFFFFFFFF;
	p2 =	slt.u32 s8, $0xFFFFF086  }
0x1c: {  	p1 =	slt.u32 s9, $0xF7A;
	s5 =	simm.s32 @!p2 $0x0  }
0x1d: {  	s5 =	simm.s32 @p1 $0x1;
	p0 =	seq.s32 s7, s2  }
0x1e: {  	s7 =	smul.u32 @!p0 $0xF7A, s2;
	p2 =	seq.s32 @!p0 s5, $0x0  }
0x1f: {  	s9 =	smul.u32 $0xF7A, s1;
	s8 =	simm.s32 @!p0 $0x1BF5;
	p2 =	por !p2, p0  }
0x20: {  	[sflag:s8] =	ssyncset.s32 @!p0 $0xFFFFF086;
	s6 =	sadd.s32 @!p0 s3, s7;
	s7 =	simm.s32 @!p0 $0x108  }
0x21: {  	s3 =	sadd.s32 s3, s9;
	s6 =	sadd.s32 @!p0 $0x88, s6;
	s7 =	simm.s32 @p2 $0x1082  }
0x22: {  	[simem:s7], [sflag:s8] =	dma.local @!p0 [hbm:s6], $0xF7A  }
0x23: {  	s9 =	sor.u32 $0xD0000000, s2;
	s6 =	simm.s32 $0x108;
	_ =	swait.ge @!p0 [sflag:s8], $0x0  }
0x24: {  	s3 =	sadd.s32 $0x88, s3;
	s6 =	simm.s32 @!p1 $0x1082;
	[sflag:s4] =	ssyncset.s32 $0xFFFFF086  }
0x25: {  	[simem:s6], [sflag:s4] =	dma.local [hbm:s3], $0xF7A  }
0x26: {  	[smem:$0x3F97] =	sst s1;
	(tag) =	ssettag s2;
	_ =	strace s9  }
0x27: {  	s1 =	sld [smem:$0x3FA7]  }
0x28: {  	s2 =	sld [smem:$0x3FA8]  }
0x29: {  	s4 =	sld [smem:$0x3FAA]  }
0x2a: {  	p0 =	seq.s32 s5, $0x0;
	s5 =	sld [smem:$0x3FAB]  }
0x2b: {  	s6 =	sld [smem:$0x3FAC]  }
0x2c: {  	s7 =	sld [smem:$0x3FAD]  }
0x2d: {  	s3 =	simm.s32 $0x108;
	s8 =	sld [smem:$0x3FAE]  }
0x2e: {  	s3 =	simm.s32 @!p0 $0x1082;
	s9 =	sld [smem:$0x3FAF]  }
0x2f: {  	lr =	sadd.s32 s0, s3;
	s0 =	sld [smem:$0x3FA6]  }
0x30: {  	s3 =	sld [smem:$0x3FA9]  }
0x31: {  	[smem:$0x3FB2] =	sst s10  }
0x32: {  	s10 =	sld [smem:$0x3FB0];
	_ =	sdelay $0x3  }
0x33: {  	p0 =	seq.s32 s10, $0x1;
	s10 =	sld [smem:$0x3FB2];
	_ =	sdelay $0x3  }
0x34: {  	[smem:$0x3FB2] =	sst s10  }
0x35: {  	s10 =	sld [smem:$0x3FB1];
	_ =	sdelay $0x3  }
0x36: {  	p1 =	seq.s32 s10, $0x1;
	s10 =	sld [smem:$0x3FB2];
	_ =	sdelay $0x3  }
0x37: {  	[smem:$0x3FB2] =	sst s10  }
0x38: {  	s10 =	sld [smem:$0x3FB3]  }
0x39: {  	_ = 	snop;
	(pc) =	sbr.ind lr, $3  }
0x3a: {  	_ = 	snop  }
0x3b: {  	_ = 	snop  }
0x3c: {  	p2 =	seq.s32 s10, $0x1;
	s10 =	sld [smem:$0x3FB2]  }
0x3d: {  	_ =	shalt  }
0x3e: {  	_ =	shalt  }
0x3f: {  	_ =	shalt  }
0x40: {  	_ =	shalt  }
0x41: {  	_ =	shalt  }
0x42: {  	_ =	shalt  }
0x43: {  	_ =	shalt  }
0x44: {  	_ =	shalt  }
0x45: {  	_ =	shalt  }
0x46: {  	_ =	shalt  }
0x47: {  	_ =	shalt  }
0x48: {  	_ =	shalt  }
0x49: {  	_ =	shalt  }
0x4a: {  	_ =	shalt  }
0x4b: {  	_ =	shalt  }
0x4c: {  	_ =	shalt  }
0x4d: {  	_ =	shalt  }
0x4e: {  	_ =	shalt  }
0x4f: {  	_ =	shalt  }
0x50: {  	_ =	shalt  }
0x51: {  	_ =	shalt  }
0x52: {  	_ =	shalt  }
0x53: {  	_ =	shalt  }
0x54: {  	_ =	shalt  }
0x55: {  	_ =	shalt  }
0x56: {  	_ =	shalt  }
0x57: {  	_ =	shalt  }
0x58: {  	_ =	shalt  }
0x59: {  	_ =	shalt  }
0x5a: {  	_ =	shalt  }
0x5b: {  	_ =	shalt  }
0x5c: {  	_ =	shalt  }
0x5d: {  	_ =	shalt  }
0x5e: {  	_ =	shalt  }
0x5f: {  	_ =	shalt  }
0x60: {  	_ =	shalt  }
0x61: {  	_ =	shalt  }
0x62: {  	_ =	shalt  }
0x63: {  	_ =	shalt  }
0x64: {  	_ =	shalt  }
0x65: {  	_ =	shalt  }
0x66: {  	_ =	shalt  }
0x67: {  	_ =	shalt  }
0x68: {  	_ =	shalt  }
0x69: {  	_ =	shalt  }
0x6a: {  	_ =	shalt  }
0x6b: {  	_ =	shalt  }
0x6c: {  	_ =	shalt  }
0x6d: {  	_ =	shalt  }
0x6e: {  	_ =	shalt  }
0x6f: {  	_ =	shalt  }
0x70: {  	_ =	shalt  }
0x71: {  	_ =	shalt  }
0x72: {  	_ =	shalt  }
0x73: {  	_ =	shalt  }
0x74: {  	_ =	shalt  }
0x75: {  	_ =	shalt  }
0x76: {  	_ =	shalt  }
0x77: {  	_ =	shalt  }
0x78: {  	_ =	shalt  }
0x79: {  	_ =	shalt  }
0x7a: {  	_ =	shalt  }
0x7b: {  	_ =	shalt  }
0x7c: {  	_ =	shalt  }
0x7d: {  	_ =	shalt  }
0x7e: {  	_ =	shalt  }
0x7f: {  	_ =	shalt  }
0x80: {  	_ =	shalt  }
0x81: {  	_ =	shalt  }
0x82: {  	_ =	shalt  }
0x83: {  	_ =	shalt  }
0x84: {  	_ =	shalt  }
0x85: {  	_ =	shalt  }
0x86: {  	_ =	shalt  }
0x87: {  	_ =	shalt  }
.Lfunc_end0:
.L_simem_size_0:
called_computation.1_lowered:
.L_overlay_start_0:
0x88: {  	s2 =	sld [smem:$0x3FD9]  }
0x89: {  	s3 =	sld [smem:$0x3FFE];
	_ =	sdelay $0x1  }
0x8a: {  	s1 =	srdreg.scid  }
0x8b: {  	s0 =	sand.u32 $0x1, s1  }
0x8c: {  	s16 =	sshll.u32 s0, $0xA;
	s2 =	sadd.s32 s3, s2  }
0x8d: {  	s2 =	sadd.s32 s2, s16  }
0x8e: {  	[smem:$0x3FBE] =	sst s2  }
0x8f: {  	_ = 	snop  }
0x90: {  	(tm) =	ssettm $0x1  }
0x91: {  	s17 =	sld [smem:$0x3FFB];
	_ =	sdelay $0x3  }
0x92: {  	_ =	strace s17  }
0x93: {  	s2 =	sld [smem:$0x3FFC];
	_ =	sdelay $0x3  }
0x94: {  	_ =	strace s2  }
0x95: {  	s2 =	sld [smem:$0x3FFD];
	_ =	sdelay $0x3  }
0x96: {  	_ =	strace s2  }
0x97: {  	_ =	strace $0x8FFFFFFF  }
0x98: {  	s18 =	sld [smem:$0x3FDB];
	_ =	sdelay $0x1  }
0x99: {  	s19 =	simm.s32 $_scs_section_size  }
0x9a: {  	s4 =	simm.s32 $_size__tile_overlayer_lowered;
	s5 =	simm.s32 $_tile_overlayer_lowered  }
0x9b: {  	s22 =	simm.s32 $0x1BFF;
	s21 =	sshll.u32 s5, $0x1;
	s2 =	sadd.s32 s19, s18  }
0x9c: {  	s6 =	simm.s32 $0x0;
	s20 =	sshll.u32 s4, $0x1;
	s4 =	sadd.s32 s21, s2  }
0x9d: {  	[timem:s6], [sflag:s22] =	dma.local [hbm:s4], s20  }
0x9e: {  	_ =	swait.ge [sflag:s22], s20  }
0x9f: {  	s3 =	ssub.s32 $0x0, s20;
	[sflag:s22] =	ssyncset.done $0x0  }
0xa0: {  	[sflag:s22] =	ssyncadd.s32 s3;
	_ =	sdelay $0x1  }
0xa1: {  	s23 =	simm.s32 $0x1B8B  }
0xa2: {  	_ =	swait.ge [sflag:s23], $0x1  }
0xa3: {  	[sflag:s23] =	ssyncset.done $0x0  }
0xa4: {  	s25 =	simm.s32 $0x1B8E;
	s24 =	sld [smem:$0x3FFE];
	[sflag:s23] =	ssyncadd.s32 $0xFFFFFFFF  }
0xa5: {  	s26 =	simm.s32 $execute0_lowered;
	[smem:$0x3FD2] =	sst s25  }
0xa6: {  	s4 =	sshll.u32 s26, $0x1;
	_ =	strace $0x80000049;
	[dreg:$0x1] =	wrdreg $0xFFFFFFFF  }
0xa7: {  	s28 =	simm.s32 $_size_execute0_lowered;
	s2 =	sadd.s32 s2, s4;
	[dreg:$0x0] =	wrdreg $0x0  }
0xa8: {  	s4 =	sshll.u32 s28, $0x1;
	[dreg:$0x2] =	wrdreg s2  }
0xa9: {  	[dreg:$0x3] =	wrdreg s4  }
0xaa: {  	[dreg:$0x4] =	wrdreg $0xC0  }
0xab: {  	_ =	task [dreg:s6], $0x5FFFF  }
0xac: {  	[dreg:$0x1] =	wrdreg $0xFFFFFFFF  }
0xad: {  	[dreg:$0x0] =	wrdreg $0x60  }
0xae: {  	[dreg:$0x2] =	wrdreg s24  }
0xaf: {  	[dreg:$0x3] =	wrdreg $0x90000  }
0xb0: {  	[dreg:$0x4] =	wrdreg $0x9  }
0xb1: {  	_ =	task.clear_ibuf [dreg:s6], $0x5FFFF;
	_ =	strace $0x90000049  }
0xb2: {  	s29 =	simm.s32 $0x9;
	_ =	strace $0x8000004B  }
0xb3: {  	_ =	swait.ge [sflag:s29], $0x1  }
0xb4: {  	[sflag:s29] =	ssyncadd.s32 $0xFFFFFFFF  }
0xb5: {  	_ =	strace $0x9000004B  }
0xb6: {  	_ =	sfence  }
0xb7: {  	s30 =	sld [smem:$0x0];
	_ =	sdelay $0x2  }
0xb8: {  	s31 =	sshll.u32 s1, $0xD;
	s1 =	sshrl.u32 s1, $0x2  }
0xb9: {  	s3 =	sand.u32 $0x4000, s31;
	s1 =	sadd.s32 s1, s30  }
0xba: {  	s0 =	sor.u32 s3, s0;
	s1 =	sshll.u32 s1, $0x11  }
0xbb: {  	s0 =	sor.u32 s1, s0  }
0xbc: {  	s0 =	sadd.s32 $0x8F2B, s0  }
0xbd: {  	[sflag:s0] =	ssyncadd.remote.s32 $0x1  }
0xbe: {  	_ =	sfence.sel $0xFFFF  }
0xbf: {  	[dreg:$0x0] =	wrdreg $0xFFFFFFFF;
	(pc) =	sbr.abs _section_cstart, $3  }
0xc0: {  	[dreg:$0x1] =	wrdreg $0xFFFFFFFF  }
0xc1: {  	_ =	task.clear_ibuf [dreg:s6], $0x2FFFF;
	_ =	strace $0x9FFFFFFF  }
0xc2: {  	(tm) =	ssettm $0x7FFFFFFF  }
0xc3: {  	_ =	shalt  }
tec
execute0_lowered:
.L_overlay_start_1:
0x0: {  	(tag) =	ssettag $0x1  }
0x1: {  	s5 =	rddreg [dreg:$0x0]  }
0x2: {  	s0 =	srdreg.scid;
	s2 =	rddreg [dreg:$0x1]  }
0x3: {  	s1 =	rddreg [dreg:$0x2];
	s3 =	simm.s32 $0x0;
	s6 =	sand.u32 $0x1, s0  }
0x4: {  	s14 =	simm.s32 $0x80;
	s0 =	stileid.u32;
	s4 =	smul.u32 $0x28000, s6  }
0x5: {  	s15 =	simm.s32 $0x5000;
	s16 =	simm.s32 $0x1;
	s7 =	smul.u32 $0x2800, s0  }
0x6: {  	s17 =	simm.s32 $0x0;
	[smem:$0x7FF] =	sst s3;
	s28 =	smul.u32 $0x14000, s0  }
0x7: {  	_ =	strace $0x8000004A;
	s9 =	smul.u32 $0x140000, s6;
	s6 =	ssub.s32 $0x2, s6  }
0x8: {  	s29 =	smul.u32 $0x50000, s0;
	s31 =	sshll.u32 s0, $0x6;
	s11 =	sshrl.u32 s6, $0x1  }
0x9: {  	s4 =	sadd.s32 s7, s4;
	s10 =	sshrl.u32 s28, $0x3;
	s7 =	sadd.s32 s28, s9  }
0xa: {  	s11 =	ssub.s32 s6, s11;
	s30 =	sshrl.u32 s29, $0x2;
	s6 =	sor.u32 $0x1C02, s31  }
0xb: {  	s8 =	sshrl.u32 s4, $0x3;
	s4 =	sadd.s32 $0x53A00, s5;
	s10 =	sadd.s32 s10, s5  }
0xc: {  	s7 =	sshrl.u32 s7, $0x3;
	s13 =	sadd.s32 s30, s2;
	s8 =	sadd.s32 s8, s5  }
0xd: {  	s12 =	sadd.s32 s7, s5;
	s5 =	sadd.s32 $0x2BA00, s10;
	s10 =	smax.u32 s11, $0x1  }
0xe: {  	s11 =	sshrl.u32 s13, $0x3;
	s13 =	simm.s32 $0x2800;
	s7 =	sadd.s32 $0x3200, s8  }
0xf: {  	s8 =	sadd.s32 $0xD200, s8;
	s9 =	sadd.s32 $0x7BA00, s12;
	s12 =	simm.s32 $0x2  }
.LBB2_1:
0x10: {  	[spmem:s11], [sflag:s6] =	dma.local [hbm:s5], $0x2800  }
0x11: {  	_ =	swait.ge [sflag:s12], $0x2800  }
0x12: {  	[sflag:s12] =	ssyncset.done $0x0  }
0x13: {  	[sflag:s12] =	ssyncadd.s32 $0xFFFFD800  }
0x14: {  	[tilespmem:s3], [sflag:$0x2] =	stream.linear.gather [hbm4b:s7+s3], $0x2800, $0x38;
	[tilespmem:$0x1D000] =	vst v63  }
0x15: {  	_ =	swait.ge [sflag:s12], $0x2800  }
0x16: {  	[sflag:s12] =	ssyncset.done $0x0  }
0x17: {  	[sflag:s12] =	ssyncadd.s32 $0xFFFFD800  }
0x18: {  	[tilespmem:s13], [sflag:$0x2] =	stream.linear.gather [hbm4b:s8+s3], $0x2800, $0x38;
	[tilespmem:$0x1D000] =	vst v63  }
0x19: {  	_ =	swait.ge [sflag:s12], $0x2800  }
0x1a: {  	[sflag:s12] =	ssyncset.done $0x0  }
0x1b: {  	[sflag:s12] =	ssyncadd.s32 $0xFFFFD800  }
0x1c: {  	s18 =	simm.s32 $0x0;
	[bflag:$0x0] =	sbarrier.arrive $0xFFFF  }
0x1d: {  	[tilespmem:s15], [sflag:$0x1] =	stream.indirect.gather [hbm4b:s4+s14], $0x80, s18, s14, $0xb8;
	[tilespmem:$0x1D000] =	vst v63  }
0x1e: {  	_ =	swait.ge [sflag:s16], $0x4000  }
0x1f: {  	[sflag:s16] =	ssyncset.done $0x0  }
0x20: {  	s31 =	simm.s32 $0x2800;
	[sflag:s16] =	ssyncadd.s32 $0xFFFFC000  }
0x21: {  	[spmem:s2] =	stream.indirect.scatter.add.f32 [tilespmem:s15], [sflag:$0x2], $0x80, s31, s14, $0xb8;
	[tilespmem:$0x1D000] =	vst v63  }
0x22: {  	_ =	swait.ge [sflag:s12], $0x4000  }
0x23: {  	s19 =	simm.s32 $0x400;
	s18 =	simm.s32 $0x200;
	[sflag:s12] =	ssyncset.done $0x0  }
.LBB2_2:
0x24: {  	s20 =	sshra.s32 s18, $0x2  }
0x25: {  	[sflag:s12] =	ssyncadd.s32 $0xFFFFC000;
	s18 =	smov.u32 s19;
	s21 =	sadd.s32 $0x200, s19  }
0x26: {  	[tilespmem:s15], [sflag:$0x1] =	stream.indirect.gather [hbm4b:s4+s14], $0x80, s20, s14, $0xb8;
	[tilespmem:$0x1D000] =	vst v63  }
0x27: {  	p0 =	sne.s32 s19, $0x9E00;
	_ =	swait.ge [sflag:s16], $0x4000  }
.Ltmp0:
0x28: {  	[sflag:s16] =	ssyncset.done $0x0;
	(pc) =	sbr.rel @p0 .LBB2_2-.Ltmp0, $4  }
0x29: {  	s19 =	sadd.s32 $0x2800, s20;
	[sflag:s16] =	ssyncadd.s32 $0xFFFFC000  }
0x2a: {  	[spmem:s2] =	stream.indirect.scatter.add.f32 [tilespmem:s15], [sflag:$0x2], $0x80, s19, s14, $0xb8;
	[tilespmem:$0x1D000] =	vst v63  }
0x2b: {  	_ =	swait.ge [sflag:s12], $0x4000  }
0x2c: {  	s19 =	smov.u32 s21;
	[sflag:s12] =	ssyncset.done $0x0  }
0x2d: {  	s18 =	sshra.s32 s18, $0x2;
	[sflag:s12] =	ssyncadd.s32 $0xFFFFC000  }
0x2e: {  	[tilespmem:s15], [sflag:$0x1] =	stream.indirect.gather [hbm4b:s4+s14], $0x80, s18, s14, $0xb8;
	[tilespmem:$0x1D000] =	vst v63  }
0x2f: {  	_ =	swait.ge [sflag:s16], $0x4000  }
0x30: {  	[sflag:s16] =	ssyncset.done $0x0  }
0x31: {  	s18 =	sadd.s32 $0x2800, s18;
	[sflag:s16] =	ssyncadd.s32 $0xFFFFC000  }
0x32: {  	[spmem:s2] =	stream.indirect.scatter.add.f32 [tilespmem:s15], [sflag:$0x2], $0x80, s18, s14, $0xb8;
	[tilespmem:$0x1D000] =	vst v63  }
0x33: {  	_ =	swait.ge [sflag:s12], $0x4000  }
0x34: {  	s17 =	sadd.s32 $0x1, s17;
	[sflag:s12] =	ssyncset.done $0x0  }
0x35: {  	p0 =	sne.s32 s17, s10;
	[sflag:s12] =	ssyncadd.s32 $0xFFFFC000  }
.Ltmp1:
0x36: {  	[bflag:$0x0] =	sbarrier.arrive $0xFFFF;
	(pc) =	sbr.rel @p0 .LBB2_1-.Ltmp1, $4  }
0x37: {  	[hbm:s9], [sflag:s6] =	dma.local [spmem:s11], $0x2800  }
0x38: {  	_ =	swait.ge [sflag:s12], $0x2800  }
0x39: {  	[sflag:s12] =	ssyncset.done $0x0  }
0x3a: {  	[sflag:s12] =	ssyncadd.s32 $0xFFFFD800  }
0x3b: {  	_ =	sfence.sel $0x180000  }
0x3c: {  	[bflag:$0x0] =	sbarrier.arrive $0xFFFF  }
0x3d: {  	p0 =	sne.s32 s0, $0x0;
	_ =	strace $0x9000004A  }
0x3e: {  	s0 =	sadd.s32 @!p0 $0x100000, s1;
	[bflag:$0x2] =	sbarrier.arrive $0xFFFF  }
0x3f: {  	[sflag:s0] =	ssyncadd.tile.s32 @!p0 $0x1;
	_ =	shalt  }
.Lfunc_end2:
_tile_overlayer_lowered:
.L_overlay_start_2:
0x40: {  	(tag) =	ssettag $0x2  }
0x41: {  	s0 =	rddreg [dreg:$0x0];
	s2 =	stileid.u32  }
0x42: {  	s1 =	rddreg [dreg:$0x1];
	p0 =	sne.s32 s2, $0x0  }
0x43: {  	s3 =	rddreg [dreg:$0x2];
	[bflag:$0x3] =	sbarrier.arrive $0xFFFF;
	s2 =	simm.s32 @!p0 $0x1C02  }
0x44: {  	[timem:s3], [sflag:s2] =	dma.local @!p0 [hbm:s0], s1  }
0x45: {  	s0 =	simm.s32 @!p0 $0x2  }
0x46: {  	_ =	swait.ge @!p0 [sflag:s0], s1  }
0x47: {  	s1 =	ssub.s32 @!p0 $0x0, s1;
	[sflag:s0] =	ssyncset.done @!p0 $0x0  }
0x48: {  	[sflag:s0] =	ssyncadd.s32 @!p0 s1  }
0x49: {  	[bflag:$0x3] =	sbarrier.arrive $0xFFFF  }
0x4a: {  	_ =	shalt  }

// kernel: _run.17.cloned.1.call-start
scs
__scs_entry_jumppad:
0x0: {  	(pc) =	sbr.rel $0x88, $3  }
0x1: {  	(tag) =	ssettag $0x0;
	lr =	simm.s32 $0x1  }
0x2: {  	[smem:$0x3F97] =	sst lr;
	_ =	strace $0xD0000000  }
0x3: {  	_ = 	snop  }
0x4: {  	_ = 	snop  }
0x5: {  	_ = 	snop  }
0x6: {  	_ = 	snop  }
0x7: {  	_ = 	snop  }
__scs_overlays_trampoline_lowered:
0x8: {  	[smem:$0x3FA6] =	sst s0  }
0x9: {  	[smem:$0x3FA7] =	sst s1  }
0xa: {  	[smem:$0x3FA8] =	sst s2  }
0xb: {  	[smem:$0x3FA9] =	sst s3  }
0xc: {  	[smem:$0x3FAA] =	sst s4  }
0xd: {  	[smem:$0x3FAB] =	sst s5  }
0xe: {  	[smem:$0x3FAC] =	sst s6  }
0xf: {  	[smem:$0x3FAD] =	sst s7  }
0x10: {  	[smem:$0x3FAE] =	sst s8  }
0x11: {  	[smem:$0x3FAF] =	sst s9;
	s0 =	simm.s32 @!p0 $0x0  }
0x12: {  	s1 =	sld [smem:$0x3F95];
	s0 =	simm.s32 @p0 $0x1  }
0x13: {  	[smem:$0x3FB0] =	sst s0;
	s0 =	simm.s32 @!p1 $0x0  }
0x14: {  	s2 =	sld [smem:$0x3F94];
	s0 =	simm.s32 @p1 $0x1  }
0x15: {  	[smem:$0x3FB1] =	sst s0;
	s0 =	simm.s32 @!p2 $0x0  }
0x16: {  	s3 =	sld [smem:$0x3FDB];
	s0 =	simm.s32 @p2 $0x1  }
0x17: {  	s4 =	simm.s32 $0x1BF5;
	[smem:$0x3FB3] =	sst s0  }
0x18: {  	s0 =	sld [smem:$0x3F96];
	_ =	swait.ge [sflag:s4], $0x0  }
0x19: {  	s7 =	sld [smem:$0x3F97]  }
0x1a: {  	s8 =	sadd.s32 $0xFFFFE003, lr  }
0x1b: {  	s9 =	sadd.s32 $0xFFFFFEF7, lr;
	s5 =	simm.s32 $0xFFFFFFFF;
	p2 =	slt.u32 s8, $0xFFFFF086  }
0x1c: {  	p1 =	slt.u32 s9, $0xF7A;
	s5 =	simm.s32 @!p2 $0x0  }
0x1d: {  	s5 =	simm.s32 @p1 $0x1;
	p0 =	seq.s32 s7, s2  }
0x1e: {  	s7 =	smul.u32 @!p0 $0xF7A, s2;
	p2 =	seq.s32 @!p0 s5, $0x0  }
0x1f: {  	s9 =	smul.u32 $0xF7A, s1;
	s8 =	simm.s32 @!p0 $0x1BF5;
	p2 =	por !p2, p0  }
0x20: {  	[sflag:s8] =	ssyncset.s32 @!p0 $0xFFFFF086;
	s6 =	sadd.s32 @!p0 s3, s7;
	s7 =	simm.s32 @!p0 $0x108  }
0x21: {  	s3 =	sadd.s32 s3, s9;
	s6 =	sadd.s32 @!p0 $0x88, s6;
	s7 =	simm.s32 @p2 $0x1082  }
0x22: {  	[simem:s7], [sflag:s8] =	dma.local @!p0 [hbm:s6], $0xF7A  }
0x23: {  	s9 =	sor.u32 $0xD0000000, s2;
	s6 =	simm.s32 $0x108;
	_ =	swait.ge @!p0 [sflag:s8], $0x0  }
0x24: {  	s3 =	sadd.s32 $0x88, s3;
	s6 =	simm.s32 @!p1 $0x1082;
	[sflag:s4] =	ssyncset.s32 $0xFFFFF086  }
0x25: {  	[simem:s6], [sflag:s4] =	dma.local [hbm:s3], $0xF7A  }
0x26: {  	[smem:$0x3F97] =	sst s1;
	(tag) =	ssettag s2;
	_ =	strace s9  }
0x27: {  	s1 =	sld [smem:$0x3FA7]  }
0x28: {  	s2 =	sld [smem:$0x3FA8]  }
0x29: {  	s4 =	sld [smem:$0x3FAA]  }
0x2a: {  	p0 =	seq.s32 s5, $0x0;
	s5 =	sld [smem:$0x3FAB]  }
0x2b: {  	s6 =	sld [smem:$0x3FAC]  }
0x2c: {  	s7 =	sld [smem:$0x3FAD]  }
0x2d: {  	s3 =	simm.s32 $0x108;
	s8 =	sld [smem:$0x3FAE]  }
0x2e: {  	s3 =	simm.s32 @!p0 $0x1082;
	s9 =	sld [smem:$0x3FAF]  }
0x2f: {  	lr =	sadd.s32 s0, s3;
	s0 =	sld [smem:$0x3FA6]  }
0x30: {  	s3 =	sld [smem:$0x3FA9]  }
0x31: {  	[smem:$0x3FB2] =	sst s10  }
0x32: {  	s10 =	sld [smem:$0x3FB0];
	_ =	sdelay $0x3  }
0x33: {  	p0 =	seq.s32 s10, $0x1;
	s10 =	sld [smem:$0x3FB2];
	_ =	sdelay $0x3  }
0x34: {  	[smem:$0x3FB2] =	sst s10  }
0x35: {  	s10 =	sld [smem:$0x3FB1];
	_ =	sdelay $0x3  }
0x36: {  	p1 =	seq.s32 s10, $0x1;
	s10 =	sld [smem:$0x3FB2];
	_ =	sdelay $0x3  }
0x37: {  	[smem:$0x3FB2] =	sst s10  }
0x38: {  	s10 =	sld [smem:$0x3FB3]  }
0x39: {  	_ = 	snop;
	(pc) =	sbr.ind lr, $3  }
0x3a: {  	_ = 	snop  }
0x3b: {  	_ = 	snop  }
0x3c: {  	p2 =	seq.s32 s10, $0x1;
	s10 =	sld [smem:$0x3FB2]  }
0x3d: {  	_ =	shalt  }
0x3e: {  	_ =	shalt  }
0x3f: {  	_ =	shalt  }
0x40: {  	_ =	shalt  }
0x41: {  	_ =	shalt  }
0x42: {  	_ =	shalt  }
0x43: {  	_ =	shalt  }
0x44: {  	_ =	shalt  }
0x45: {  	_ =	shalt  }
0x46: {  	_ =	shalt  }
0x47: {  	_ =	shalt  }
0x48: {  	_ =	shalt  }
0x49: {  	_ =	shalt  }
0x4a: {  	_ =	shalt  }
0x4b: {  	_ =	shalt  }
0x4c: {  	_ =	shalt  }
0x4d: {  	_ =	shalt  }
0x4e: {  	_ =	shalt  }
0x4f: {  	_ =	shalt  }
0x50: {  	_ =	shalt  }
0x51: {  	_ =	shalt  }
0x52: {  	_ =	shalt  }
0x53: {  	_ =	shalt  }
0x54: {  	_ =	shalt  }
0x55: {  	_ =	shalt  }
0x56: {  	_ =	shalt  }
0x57: {  	_ =	shalt  }
0x58: {  	_ =	shalt  }
0x59: {  	_ =	shalt  }
0x5a: {  	_ =	shalt  }
0x5b: {  	_ =	shalt  }
0x5c: {  	_ =	shalt  }
0x5d: {  	_ =	shalt  }
0x5e: {  	_ =	shalt  }
0x5f: {  	_ =	shalt  }
0x60: {  	_ =	shalt  }
0x61: {  	_ =	shalt  }
0x62: {  	_ =	shalt  }
0x63: {  	_ =	shalt  }
0x64: {  	_ =	shalt  }
0x65: {  	_ =	shalt  }
0x66: {  	_ =	shalt  }
0x67: {  	_ =	shalt  }
0x68: {  	_ =	shalt  }
0x69: {  	_ =	shalt  }
0x6a: {  	_ =	shalt  }
0x6b: {  	_ =	shalt  }
0x6c: {  	_ =	shalt  }
0x6d: {  	_ =	shalt  }
0x6e: {  	_ =	shalt  }
0x6f: {  	_ =	shalt  }
0x70: {  	_ =	shalt  }
0x71: {  	_ =	shalt  }
0x72: {  	_ =	shalt  }
0x73: {  	_ =	shalt  }
0x74: {  	_ =	shalt  }
0x75: {  	_ =	shalt  }
0x76: {  	_ =	shalt  }
0x77: {  	_ =	shalt  }
0x78: {  	_ =	shalt  }
0x79: {  	_ =	shalt  }
0x7a: {  	_ =	shalt  }
0x7b: {  	_ =	shalt  }
0x7c: {  	_ =	shalt  }
0x7d: {  	_ =	shalt  }
0x7e: {  	_ =	shalt  }
0x7f: {  	_ =	shalt  }
0x80: {  	_ =	shalt  }
0x81: {  	_ =	shalt  }
0x82: {  	_ =	shalt  }
0x83: {  	_ =	shalt  }
0x84: {  	_ =	shalt  }
0x85: {  	_ =	shalt  }
0x86: {  	_ =	shalt  }
0x87: {  	_ =	shalt  }
.Lfunc_end0:
.L_simem_size_0:
called_computation.2_lowered:
.L_overlay_start_0:
0x88: {  	s2 =	sld [smem:$0x3FD9]  }
0x89: {  	s3 =	sld [smem:$0x3FFE];
	_ =	sdelay $0x1  }
0x8a: {  	s1 =	srdreg.scid  }
0x8b: {  	s0 =	sand.u32 $0x1, s1  }
0x8c: {  	s16 =	sshll.u32 s0, $0xA;
	s2 =	sadd.s32 s3, s2  }
0x8d: {  	s2 =	sadd.s32 s2, s16  }
0x8e: {  	[smem:$0x3FBE] =	sst s2  }
0x8f: {  	_ = 	snop  }
0x90: {  	(tm) =	ssettm $0x1  }
0x91: {  	s17 =	sld [smem:$0x3FFB];
	_ =	sdelay $0x3  }
0x92: {  	_ =	strace s17  }
0x93: {  	s2 =	sld [smem:$0x3FFC];
	_ =	sdelay $0x3  }
0x94: {  	_ =	strace s2  }
0x95: {  	s2 =	sld [smem:$0x3FFD];
	_ =	sdelay $0x3  }
0x96: {  	_ =	strace s2  }
0x97: {  	_ =	strace $0x8FFFFFFF  }
0x98: {  	s18 =	sld [smem:$0x3FDB];
	_ =	sdelay $0x1  }
0x99: {  	s19 =	simm.s32 $_scs_section_size  }
0x9a: {  	s4 =	simm.s32 $_size__tile_overlayer_lowered;
	s5 =	simm.s32 $_tile_overlayer_lowered  }
0x9b: {  	s22 =	simm.s32 $0x1BFF;
	s21 =	sshll.u32 s5, $0x1;
	s2 =	sadd.s32 s19, s18  }
0x9c: {  	s6 =	simm.s32 $0x0;
	s20 =	sshll.u32 s4, $0x1;
	s4 =	sadd.s32 s21, s2  }
0x9d: {  	[timem:s6], [sflag:s22] =	dma.local [hbm:s4], s20  }
0x9e: {  	_ =	swait.ge [sflag:s22], s20  }
0x9f: {  	s3 =	ssub.s32 $0x0, s20;
	[sflag:s22] =	ssyncset.done $0x0  }
0xa0: {  	[sflag:s22] =	ssyncadd.s32 s3;
	_ =	sdelay $0x1  }
0xa1: {  	s23 =	simm.s32 $0x1B8B  }
0xa2: {  	_ =	swait.ge [sflag:s23], $0x1  }
0xa3: {  	[sflag:s23] =	ssyncset.done $0x0  }
0xa4: {  	s25 =	simm.s32 $0x1B8E;
	s24 =	sld [smem:$0x3FFE];
	[sflag:s23] =	ssyncadd.s32 $0xFFFFFFFF  }
0xa5: {  	s26 =	simm.s32 $execute0_lowered;
	[smem:$0x3FD2] =	sst s25  }
0xa6: {  	s4 =	sshll.u32 s26, $0x1;
	_ =	strace $0x8000004C;
	[dreg:$0x1] =	wrdreg $0xFFFFFFFF  }
0xa7: {  	s28 =	simm.s32 $_size_execute0_lowered;
	s2 =	sadd.s32 s2, s4;
	[dreg:$0x0] =	wrdreg $0x0  }
0xa8: {  	s4 =	sshll.u32 s28, $0x1;
	[dreg:$0x2] =	wrdreg s2  }
0xa9: {  	[dreg:$0x3] =	wrdreg s4  }
0xaa: {  	[dreg:$0x4] =	wrdreg $0xC0  }
0xab: {  	_ =	task [dreg:s6], $0x5FFFF  }
0xac: {  	[dreg:$0x1] =	wrdreg $0xFFFFFFFF  }
0xad: {  	[dreg:$0x0] =	wrdreg $0x60  }
0xae: {  	[dreg:$0x2] =	wrdreg s24  }
0xaf: {  	[dreg:$0x3] =	wrdreg $0x90000  }
0xb0: {  	[dreg:$0x4] =	wrdreg $0x9  }
0xb1: {  	_ =	task.clear_ibuf [dreg:s6], $0x5FFFF;
	_ =	strace $0x9000004C  }
0xb2: {  	s29 =	simm.s32 $0x9;
	_ =	strace $0x8000004E  }
0xb3: {  	_ =	swait.ge [sflag:s29], $0x1  }
0xb4: {  	[sflag:s29] =	ssyncadd.s32 $0xFFFFFFFF  }
0xb5: {  	_ =	strace $0x9000004E  }
0xb6: {  	_ =	sfence  }
0xb7: {  	s30 =	sld [smem:$0x0];
	_ =	sdelay $0x2  }
0xb8: {  	s31 =	sshll.u32 s1, $0xD;
	s1 =	sshrl.u32 s1, $0x2  }
0xb9: {  	s3 =	sand.u32 $0x4000, s31;
	s1 =	sadd.s32 s1, s30  }
0xba: {  	s0 =	sor.u32 s3, s0;
	s1 =	sshll.u32 s1, $0x11  }
0xbb: {  	s0 =	sor.u32 s1, s0  }
0xbc: {  	s0 =	sadd.s32 $0x8F2B, s0  }
0xbd: {  	[sflag:s0] =	ssyncadd.remote.s32 $0x1  }
0xbe: {  	_ =	sfence.sel $0xFFFF  }
0xbf: {  	[dreg:$0x0] =	wrdreg $0xFFFFFFFF;
	(pc) =	sbr.abs _section_cstart, $3  }
0xc0: {  	[dreg:$0x1] =	wrdreg $0xFFFFFFFF  }
0xc1: {  	_ =	task.clear_ibuf [dreg:s6], $0x2FFFF;
	_ =	strace $0x9FFFFFFF  }
0xc2: {  	(tm) =	ssettm $0x7FFFFFFF  }
0xc3: {  	_ =	shalt  }
tec
execute0_lowered:
.L_overlay_start_1:
0x0: {  	(tag) =	ssettag $0x1  }
0x1: {  	s5 =	rddreg [dreg:$0x0]  }
0x2: {  	s0 =	srdreg.scid;
	s2 =	rddreg [dreg:$0x1]  }
0x3: {  	s1 =	rddreg [dreg:$0x2];
	s3 =	simm.s32 $0x0;
	s6 =	sand.u32 $0x1, s0  }
0x4: {  	s14 =	simm.s32 $0x80;
	s0 =	stileid.u32;
	s4 =	smul.u32 $0x28000, s6  }
0x5: {  	s15 =	simm.s32 $0x5000;
	s16 =	simm.s32 $0x1;
	s7 =	smul.u32 $0x2800, s0  }
0x6: {  	s17 =	simm.s32 $0x0;
	[smem:$0x7FF] =	sst s3;
	s28 =	smul.u32 $0x14000, s0  }
0x7: {  	_ =	strace $0x8000004D;
	s9 =	smul.u32 $0x140000, s6;
	s6 =	ssub.s32 $0x2, s6  }
0x8: {  	s29 =	smul.u32 $0x50000, s0;
	s31 =	sshll.u32 s0, $0x6;
	s11 =	sshrl.u32 s6, $0x1  }
0x9: {  	s4 =	sadd.s32 s7, s4;
	s10 =	sshrl.u32 s28, $0x3;
	s7 =	sadd.s32 s28, s9  }
0xa: {  	s11 =	ssub.s32 s6, s11;
	s30 =	sshrl.u32 s29, $0x2;
	s6 =	sor.u32 $0x1C02, s31  }
0xb: {  	s8 =	sshrl.u32 s4, $0x3;
	s4 =	sadd.s32 $0x53A00, s5;
	s10 =	sadd.s32 s10, s5  }
0xc: {  	s7 =	sshrl.u32 s7, $0x3;
	s13 =	sadd.s32 s30, s2;
	s8 =	sadd.s32 s8, s5  }
0xd: {  	s12 =	sadd.s32 s7, s5;
	s5 =	sadd.s32 $0x2BA00, s10;
	s10 =	smax.u32 s11, $0x1  }
0xe: {  	s11 =	sshrl.u32 s13, $0x3;
	s13 =	simm.s32 $0x2800;
	s7 =	sadd.s32 $0x3200, s8  }
0xf: {  	s8 =	sadd.s32 $0xD200, s8;
	s9 =	sadd.s32 $0x7BA00, s12;
	s12 =	simm.s32 $0x2  }
.LBB2_1:
0x10: {  	[spmem:s11], [sflag:s6] =	dma.local [hbm:s5], $0x2800  }
0x11: {  	_ =	swait.ge [sflag:s12], $0x2800  }
0x12: {  	[sflag:s12] =	ssyncset.done $0x0  }
0x13: {  	[sflag:s12] =	ssyncadd.s32 $0xFFFFD800  }
0x14: {  	[tilespmem:s3], [sflag:$0x2] =	stream.linear.gather [hbm4b:s7+s3], $0x2800, $0x38;
	[tilespmem:$0x1D000] =	vst v63  }
0x15: {  	_ =	swait.ge [sflag:s12], $0x2800  }
0x16: {  	[sflag:s12] =	ssyncset.done $0x0  }
0x17: {  	[sflag:s12] =	ssyncadd.s32 $0xFFFFD800  }
0x18: {  	[tilespmem:s13], [sflag:$0x2] =	stream.linear.gather [hbm4b:s8+s3], $0x2800, $0x38;
	[tilespmem:$0x1D000] =	vst v63  }
0x19: {  	_ =	swait.ge [sflag:s12], $0x2800  }
0x1a: {  	[sflag:s12] =	ssyncset.done $0x0  }
0x1b: {  	[sflag:s12] =	ssyncadd.s32 $0xFFFFD800  }
0x1c: {  	s18 =	simm.s32 $0x0;
	[bflag:$0x0] =	sbarrier.arrive $0xFFFF  }
0x1d: {  	[tilespmem:s15], [sflag:$0x1] =	stream.indirect.gather [hbm4b:s4+s14], $0x80, s18, s14, $0xb8;
	[tilespmem:$0x1D000] =	vst v63  }
0x1e: {  	_ =	swait.ge [sflag:s16], $0x4000  }
0x1f: {  	[sflag:s16] =	ssyncset.done $0x0  }
0x20: {  	s31 =	simm.s32 $0x2800;
	[sflag:s16] =	ssyncadd.s32 $0xFFFFC000  }
0x21: {  	[spmem:s2] =	stream.indirect.scatter.add.f32 [tilespmem:s15], [sflag:$0x2], $0x80, s31, s14, $0xb8;
	[tilespmem:$0x1D000] =	vst v63  }
0x22: {  	_ =	swait.ge [sflag:s12], $0x4000  }
0x23: {  	s19 =	simm.s32 $0x400;
	s18 =	simm.s32 $0x200;
	[sflag:s12] =	ssyncset.done $0x0  }
.LBB2_2:
0x24: {  	s20 =	sshra.s32 s18, $0x2  }
0x25: {  	[sflag:s12] =	ssyncadd.s32 $0xFFFFC000;
	s18 =	smov.u32 s19;
	s21 =	sadd.s32 $0x200, s19  }
0x26: {  	[tilespmem:s15], [sflag:$0x1] =	stream.indirect.gather [hbm4b:s4+s14], $0x80, s20, s14, $0xb8;
	[tilespmem:$0x1D000] =	vst v63  }
0x27: {  	p0 =	sne.s32 s19, $0x9E00;
	_ =	swait.ge [sflag:s16], $0x4000  }
.Ltmp0:
0x28: {  	[sflag:s16] =	ssyncset.done $0x0;
	(pc) =	sbr.rel @p0 .LBB2_2-.Ltmp0, $4  }
0x29: {  	s19 =	sadd.s32 $0x2800, s20;
	[sflag:s16] =	ssyncadd.s32 $0xFFFFC000  }
0x2a: {  	[spmem:s2] =	stream.indirect.scatter.add.f32 [tilespmem:s15], [sflag:$0x2], $0x80, s19, s14, $0xb8;
	[tilespmem:$0x1D000] =	vst v63  }
0x2b: {  	_ =	swait.ge [sflag:s12], $0x4000  }
0x2c: {  	s19 =	smov.u32 s21;
	[sflag:s12] =	ssyncset.done $0x0  }
0x2d: {  	s18 =	sshra.s32 s18, $0x2;
	[sflag:s12] =	ssyncadd.s32 $0xFFFFC000  }
0x2e: {  	[tilespmem:s15], [sflag:$0x1] =	stream.indirect.gather [hbm4b:s4+s14], $0x80, s18, s14, $0xb8;
	[tilespmem:$0x1D000] =	vst v63  }
0x2f: {  	_ =	swait.ge [sflag:s16], $0x4000  }
0x30: {  	[sflag:s16] =	ssyncset.done $0x0  }
0x31: {  	s18 =	sadd.s32 $0x2800, s18;
	[sflag:s16] =	ssyncadd.s32 $0xFFFFC000  }
0x32: {  	[spmem:s2] =	stream.indirect.scatter.add.f32 [tilespmem:s15], [sflag:$0x2], $0x80, s18, s14, $0xb8;
	[tilespmem:$0x1D000] =	vst v63  }
0x33: {  	_ =	swait.ge [sflag:s12], $0x4000  }
0x34: {  	s17 =	sadd.s32 $0x1, s17;
	[sflag:s12] =	ssyncset.done $0x0  }
0x35: {  	p0 =	sne.s32 s17, s10;
	[sflag:s12] =	ssyncadd.s32 $0xFFFFC000  }
.Ltmp1:
0x36: {  	[bflag:$0x0] =	sbarrier.arrive $0xFFFF;
	(pc) =	sbr.rel @p0 .LBB2_1-.Ltmp1, $4  }
0x37: {  	[hbm:s9], [sflag:s6] =	dma.local [spmem:s11], $0x2800  }
0x38: {  	_ =	swait.ge [sflag:s12], $0x2800  }
0x39: {  	[sflag:s12] =	ssyncset.done $0x0  }
0x3a: {  	[sflag:s12] =	ssyncadd.s32 $0xFFFFD800  }
0x3b: {  	_ =	sfence.sel $0x180000  }
0x3c: {  	[bflag:$0x0] =	sbarrier.arrive $0xFFFF  }
0x3d: {  	p0 =	sne.s32 s0, $0x0;
	_ =	strace $0x9000004D  }
0x3e: {  	s0 =	sadd.s32 @!p0 $0x100000, s1;
	[bflag:$0x2] =	sbarrier.arrive $0xFFFF  }
0x3f: {  	[sflag:s0] =	ssyncadd.tile.s32 @!p0 $0x1;
	_ =	shalt  }
.Lfunc_end2:
_tile_overlayer_lowered:
.L_overlay_start_2:
0x40: {  	(tag) =	ssettag $0x2  }
0x41: {  	s0 =	rddreg [dreg:$0x0];
	s2 =	stileid.u32  }
0x42: {  	s1 =	rddreg [dreg:$0x1];
	p0 =	sne.s32 s2, $0x0  }
0x43: {  	s3 =	rddreg [dreg:$0x2];
	[bflag:$0x3] =	sbarrier.arrive $0xFFFF;
	s2 =	simm.s32 @!p0 $0x1C02  }
0x44: {  	[timem:s3], [sflag:s2] =	dma.local @!p0 [hbm:s0], s1  }
0x45: {  	s0 =	simm.s32 @!p0 $0x2  }
0x46: {  	_ =	swait.ge @!p0 [sflag:s0], s1  }
0x47: {  	s1 =	ssub.s32 @!p0 $0x0, s1;
	[sflag:s0] =	ssyncset.done @!p0 $0x0  }
0x48: {  	[sflag:s0] =	ssyncadd.s32 @!p0 s1  }
0x49: {  	[bflag:$0x3] =	sbarrier.arrive $0xFFFF  }
0x4a: {  	_ =	shalt  }

// kernel: _run.20.cloned.1.call-start
scs
__scs_entry_jumppad:
0x0: {  	(pc) =	sbr.rel $0x88, $3  }
0x1: {  	(tag) =	ssettag $0x0;
	lr =	simm.s32 $0x1  }
0x2: {  	[smem:$0x3F97] =	sst lr;
	_ =	strace $0xD0000000  }
0x3: {  	_ = 	snop  }
0x4: {  	_ = 	snop  }
0x5: {  	_ = 	snop  }
0x6: {  	_ = 	snop  }
0x7: {  	_ = 	snop  }
__scs_overlays_trampoline_lowered:
0x8: {  	[smem:$0x3FA6] =	sst s0  }
0x9: {  	[smem:$0x3FA7] =	sst s1  }
0xa: {  	[smem:$0x3FA8] =	sst s2  }
0xb: {  	[smem:$0x3FA9] =	sst s3  }
0xc: {  	[smem:$0x3FAA] =	sst s4  }
0xd: {  	[smem:$0x3FAB] =	sst s5  }
0xe: {  	[smem:$0x3FAC] =	sst s6  }
0xf: {  	[smem:$0x3FAD] =	sst s7  }
0x10: {  	[smem:$0x3FAE] =	sst s8  }
0x11: {  	[smem:$0x3FAF] =	sst s9;
	s0 =	simm.s32 @!p0 $0x0  }
0x12: {  	s1 =	sld [smem:$0x3F95];
	s0 =	simm.s32 @p0 $0x1  }
0x13: {  	[smem:$0x3FB0] =	sst s0;
	s0 =	simm.s32 @!p1 $0x0  }
0x14: {  	s2 =	sld [smem:$0x3F94];
	s0 =	simm.s32 @p1 $0x1  }
0x15: {  	[smem:$0x3FB1] =	sst s0;
	s0 =	simm.s32 @!p2 $0x0  }
0x16: {  	s3 =	sld [smem:$0x3FDB];
	s0 =	simm.s32 @p2 $0x1  }
0x17: {  	s4 =	simm.s32 $0x1BF5;
	[smem:$0x3FB3] =	sst s0  }
0x18: {  	s0 =	sld [smem:$0x3F96];
	_ =	swait.ge [sflag:s4], $0x0  }
0x19: {  	s7 =	sld [smem:$0x3F97]  }
0x1a: {  	s8 =	sadd.s32 $0xFFFFE003, lr  }
0x1b: {  	s9 =	sadd.s32 $0xFFFFFEF7, lr;
	s5 =	simm.s32 $0xFFFFFFFF;
	p2 =	slt.u32 s8, $0xFFFFF086  }
0x1c: {  	p1 =	slt.u32 s9, $0xF7A;
	s5 =	simm.s32 @!p2 $0x0  }
0x1d: {  	s5 =	simm.s32 @p1 $0x1;
	p0 =	seq.s32 s7, s2  }
0x1e: {  	s7 =	smul.u32 @!p0 $0xF7A, s2;
	p2 =	seq.s32 @!p0 s5, $0x0  }
0x1f: {  	s9 =	smul.u32 $0xF7A, s1;
	s8 =	simm.s32 @!p0 $0x1BF5;
	p2 =	por !p2, p0  }
0x20: {  	[sflag:s8] =	ssyncset.s32 @!p0 $0xFFFFF086;
	s6 =	sadd.s32 @!p0 s3, s7;
	s7 =	simm.s32 @!p0 $0x108  }
0x21: {  	s3 =	sadd.s32 s3, s9;
	s6 =	sadd.s32 @!p0 $0x88, s6;
	s7 =	simm.s32 @p2 $0x1082  }
0x22: {  	[simem:s7], [sflag:s8] =	dma.local @!p0 [hbm:s6], $0xF7A  }
0x23: {  	s9 =	sor.u32 $0xD0000000, s2;
	s6 =	simm.s32 $0x108;
	_ =	swait.ge @!p0 [sflag:s8], $0x0  }
0x24: {  	s3 =	sadd.s32 $0x88, s3;
	s6 =	simm.s32 @!p1 $0x1082;
	[sflag:s4] =	ssyncset.s32 $0xFFFFF086  }
0x25: {  	[simem:s6], [sflag:s4] =	dma.local [hbm:s3], $0xF7A  }
0x26: {  	[smem:$0x3F97] =	sst s1;
	(tag) =	ssettag s2;
	_ =	strace s9  }
0x27: {  	s1 =	sld [smem:$0x3FA7]  }
0x28: {  	s2 =	sld [smem:$0x3FA8]  }
0x29: {  	s4 =	sld [smem:$0x3FAA]  }
0x2a: {  	p0 =	seq.s32 s5, $0x0;
	s5 =	sld [smem:$0x3FAB]  }
0x2b: {  	s6 =	sld [smem:$0x3FAC]  }
0x2c: {  	s7 =	sld [smem:$0x3FAD]  }
0x2d: {  	s3 =	simm.s32 $0x108;
	s8 =	sld [smem:$0x3FAE]  }
0x2e: {  	s3 =	simm.s32 @!p0 $0x1082;
	s9 =	sld [smem:$0x3FAF]  }
0x2f: {  	lr =	sadd.s32 s0, s3;
	s0 =	sld [smem:$0x3FA6]  }
0x30: {  	s3 =	sld [smem:$0x3FA9]  }
0x31: {  	[smem:$0x3FB2] =	sst s10  }
0x32: {  	s10 =	sld [smem:$0x3FB0];
	_ =	sdelay $0x3  }
0x33: {  	p0 =	seq.s32 s10, $0x1;
	s10 =	sld [smem:$0x3FB2];
	_ =	sdelay $0x3  }
0x34: {  	[smem:$0x3FB2] =	sst s10  }
0x35: {  	s10 =	sld [smem:$0x3FB1];
	_ =	sdelay $0x3  }
0x36: {  	p1 =	seq.s32 s10, $0x1;
	s10 =	sld [smem:$0x3FB2];
	_ =	sdelay $0x3  }
0x37: {  	[smem:$0x3FB2] =	sst s10  }
0x38: {  	s10 =	sld [smem:$0x3FB3]  }
0x39: {  	_ = 	snop;
	(pc) =	sbr.ind lr, $3  }
0x3a: {  	_ = 	snop  }
0x3b: {  	_ = 	snop  }
0x3c: {  	p2 =	seq.s32 s10, $0x1;
	s10 =	sld [smem:$0x3FB2]  }
0x3d: {  	_ =	shalt  }
0x3e: {  	_ =	shalt  }
0x3f: {  	_ =	shalt  }
0x40: {  	_ =	shalt  }
0x41: {  	_ =	shalt  }
0x42: {  	_ =	shalt  }
0x43: {  	_ =	shalt  }
0x44: {  	_ =	shalt  }
0x45: {  	_ =	shalt  }
0x46: {  	_ =	shalt  }
0x47: {  	_ =	shalt  }
0x48: {  	_ =	shalt  }
0x49: {  	_ =	shalt  }
0x4a: {  	_ =	shalt  }
0x4b: {  	_ =	shalt  }
0x4c: {  	_ =	shalt  }
0x4d: {  	_ =	shalt  }
0x4e: {  	_ =	shalt  }
0x4f: {  	_ =	shalt  }
0x50: {  	_ =	shalt  }
0x51: {  	_ =	shalt  }
0x52: {  	_ =	shalt  }
0x53: {  	_ =	shalt  }
0x54: {  	_ =	shalt  }
0x55: {  	_ =	shalt  }
0x56: {  	_ =	shalt  }
0x57: {  	_ =	shalt  }
0x58: {  	_ =	shalt  }
0x59: {  	_ =	shalt  }
0x5a: {  	_ =	shalt  }
0x5b: {  	_ =	shalt  }
0x5c: {  	_ =	shalt  }
0x5d: {  	_ =	shalt  }
0x5e: {  	_ =	shalt  }
0x5f: {  	_ =	shalt  }
0x60: {  	_ =	shalt  }
0x61: {  	_ =	shalt  }
0x62: {  	_ =	shalt  }
0x63: {  	_ =	shalt  }
0x64: {  	_ =	shalt  }
0x65: {  	_ =	shalt  }
0x66: {  	_ =	shalt  }
0x67: {  	_ =	shalt  }
0x68: {  	_ =	shalt  }
0x69: {  	_ =	shalt  }
0x6a: {  	_ =	shalt  }
0x6b: {  	_ =	shalt  }
0x6c: {  	_ =	shalt  }
0x6d: {  	_ =	shalt  }
0x6e: {  	_ =	shalt  }
0x6f: {  	_ =	shalt  }
0x70: {  	_ =	shalt  }
0x71: {  	_ =	shalt  }
0x72: {  	_ =	shalt  }
0x73: {  	_ =	shalt  }
0x74: {  	_ =	shalt  }
0x75: {  	_ =	shalt  }
0x76: {  	_ =	shalt  }
0x77: {  	_ =	shalt  }
0x78: {  	_ =	shalt  }
0x79: {  	_ =	shalt  }
0x7a: {  	_ =	shalt  }
0x7b: {  	_ =	shalt  }
0x7c: {  	_ =	shalt  }
0x7d: {  	_ =	shalt  }
0x7e: {  	_ =	shalt  }
0x7f: {  	_ =	shalt  }
0x80: {  	_ =	shalt  }
0x81: {  	_ =	shalt  }
0x82: {  	_ =	shalt  }
0x83: {  	_ =	shalt  }
0x84: {  	_ =	shalt  }
0x85: {  	_ =	shalt  }
0x86: {  	_ =	shalt  }
0x87: {  	_ =	shalt  }
.Lfunc_end0:
.L_simem_size_0:
called_computation.3_lowered:
.L_overlay_start_0:
0x88: {  	s2 =	sld [smem:$0x3FD9]  }
0x89: {  	s3 =	sld [smem:$0x3FFE];
	_ =	sdelay $0x1  }
0x8a: {  	s1 =	srdreg.scid  }
0x8b: {  	s0 =	sand.u32 $0x1, s1  }
0x8c: {  	s16 =	sshll.u32 s0, $0xA;
	s2 =	sadd.s32 s3, s2  }
0x8d: {  	s2 =	sadd.s32 s2, s16  }
0x8e: {  	[smem:$0x3FBE] =	sst s2  }
0x8f: {  	_ = 	snop  }
0x90: {  	(tm) =	ssettm $0x1  }
0x91: {  	s17 =	sld [smem:$0x3FFB];
	_ =	sdelay $0x3  }
0x92: {  	_ =	strace s17  }
0x93: {  	s2 =	sld [smem:$0x3FFC];
	_ =	sdelay $0x3  }
0x94: {  	_ =	strace s2  }
0x95: {  	s2 =	sld [smem:$0x3FFD];
	_ =	sdelay $0x3  }
0x96: {  	_ =	strace s2  }
0x97: {  	_ =	strace $0x8FFFFFFF  }
0x98: {  	s18 =	sld [smem:$0x3FDB];
	_ =	sdelay $0x1  }
0x99: {  	s19 =	simm.s32 $_scs_section_size  }
0x9a: {  	s4 =	simm.s32 $_size__tile_overlayer_lowered;
	s5 =	simm.s32 $_tile_overlayer_lowered  }
0x9b: {  	s22 =	simm.s32 $0x1BFF;
	s21 =	sshll.u32 s5, $0x1;
	s2 =	sadd.s32 s19, s18  }
0x9c: {  	s6 =	simm.s32 $0x0;
	s20 =	sshll.u32 s4, $0x1;
	s4 =	sadd.s32 s21, s2  }
0x9d: {  	[timem:s6], [sflag:s22] =	dma.local [hbm:s4], s20  }
0x9e: {  	_ =	swait.ge [sflag:s22], s20  }
0x9f: {  	s3 =	ssub.s32 $0x0, s20;
	[sflag:s22] =	ssyncset.done $0x0  }
0xa0: {  	[sflag:s22] =	ssyncadd.s32 s3;
	_ =	sdelay $0x1  }
0xa1: {  	s23 =	simm.s32 $0x1B8B  }
0xa2: {  	_ =	swait.ge [sflag:s23], $0x1  }
0xa3: {  	[sflag:s23] =	ssyncset.done $0x0  }
0xa4: {  	s25 =	simm.s32 $0x1B8E;
	s24 =	sld [smem:$0x3FFE];
	[sflag:s23] =	ssyncadd.s32 $0xFFFFFFFF  }
0xa5: {  	s26 =	simm.s32 $execute0_lowered;
	[smem:$0x3FD2] =	sst s25  }
0xa6: {  	s4 =	sshll.u32 s26, $0x1;
	_ =	strace $0x8000004F;
	[dreg:$0x1] =	wrdreg $0xFFFFFFFF  }
0xa7: {  	s28 =	simm.s32 $_size_execute0_lowered;
	s2 =	sadd.s32 s2, s4;
	[dreg:$0x0] =	wrdreg $0x0  }
0xa8: {  	s4 =	sshll.u32 s28, $0x1;
	[dreg:$0x2] =	wrdreg s2  }
0xa9: {  	[dreg:$0x3] =	wrdreg s4  }
0xaa: {  	[dreg:$0x4] =	wrdreg $0xC0  }
0xab: {  	_ =	task [dreg:s6], $0x5FFFF  }
0xac: {  	[dreg:$0x1] =	wrdreg $0xFFFFFFFF  }
0xad: {  	[dreg:$0x0] =	wrdreg $0x60  }
0xae: {  	[dreg:$0x2] =	wrdreg s24  }
0xaf: {  	[dreg:$0x3] =	wrdreg $0x90000  }
0xb0: {  	[dreg:$0x4] =	wrdreg $0x9  }
0xb1: {  	_ =	task.clear_ibuf [dreg:s6], $0x5FFFF;
	_ =	strace $0x9000004F  }
0xb2: {  	s29 =	simm.s32 $0x9;
	_ =	strace $0x80000051  }
0xb3: {  	_ =	swait.ge [sflag:s29], $0x1  }
0xb4: {  	[sflag:s29] =	ssyncadd.s32 $0xFFFFFFFF  }
0xb5: {  	_ =	strace $0x90000051  }
0xb6: {  	_ =	sfence  }
0xb7: {  	s30 =	sld [smem:$0x0];
	_ =	sdelay $0x2  }
0xb8: {  	s31 =	sshll.u32 s1, $0xD;
	s1 =	sshrl.u32 s1, $0x2  }
0xb9: {  	s3 =	sand.u32 $0x4000, s31;
	s1 =	sadd.s32 s1, s30  }
0xba: {  	s0 =	sor.u32 s3, s0;
	s1 =	sshll.u32 s1, $0x11  }
0xbb: {  	s0 =	sor.u32 s1, s0  }
0xbc: {  	s0 =	sadd.s32 $0x8F2B, s0  }
0xbd: {  	[sflag:s0] =	ssyncadd.remote.s32 $0x1  }
0xbe: {  	_ =	sfence.sel $0xFFFF  }
0xbf: {  	[dreg:$0x0] =	wrdreg $0xFFFFFFFF;
	(pc) =	sbr.abs _section_cstart, $3  }
0xc0: {  	[dreg:$0x1] =	wrdreg $0xFFFFFFFF  }
0xc1: {  	_ =	task.clear_ibuf [dreg:s6], $0x2FFFF;
	_ =	strace $0x9FFFFFFF  }
0xc2: {  	(tm) =	ssettm $0x7FFFFFFF  }
0xc3: {  	_ =	shalt  }
tec
execute0_lowered:
.L_overlay_start_1:
0x0: {  	(tag) =	ssettag $0x1  }
0x1: {  	s5 =	rddreg [dreg:$0x0]  }
0x2: {  	s0 =	srdreg.scid;
	s2 =	rddreg [dreg:$0x1]  }
0x3: {  	s1 =	rddreg [dreg:$0x2];
	s3 =	simm.s32 $0x0;
	s6 =	sand.u32 $0x1, s0  }
0x4: {  	s14 =	simm.s32 $0x80;
	s0 =	stileid.u32;
	s4 =	smul.u32 $0x28000, s6  }
0x5: {  	s15 =	simm.s32 $0x5000;
	s16 =	simm.s32 $0x1;
	s7 =	smul.u32 $0x2800, s0  }
0x6: {  	s17 =	simm.s32 $0x0;
	[smem:$0x7FF] =	sst s3;
	s28 =	smul.u32 $0x14000, s0  }
0x7: {  	_ =	strace $0x80000050;
	s9 =	smul.u32 $0x140000, s6;
	s6 =	ssub.s32 $0x2, s6  }
0x8: {  	s29 =	smul.u32 $0x50000, s0;
	s31 =	sshll.u32 s0, $0x6;
	s11 =	sshrl.u32 s6, $0x1  }
0x9: {  	s4 =	sadd.s32 s7, s4;
	s10 =	sshrl.u32 s28, $0x3;
	s7 =	sadd.s32 s28, s9  }
0xa: {  	s11 =	ssub.s32 s6, s11;
	s30 =	sshrl.u32 s29, $0x2;
	s6 =	sor.u32 $0x1C02, s31  }
0xb: {  	s8 =	sshrl.u32 s4, $0x3;
	s4 =	sadd.s32 $0x53A00, s5;
	s10 =	sadd.s32 s10, s5  }
0xc: {  	s7 =	sshrl.u32 s7, $0x3;
	s13 =	sadd.s32 s30, s2;
	s8 =	sadd.s32 s8, s5  }
0xd: {  	s12 =	sadd.s32 s7, s5;
	s5 =	sadd.s32 $0x2BA00, s10;
	s10 =	smax.u32 s11, $0x1  }
0xe: {  	s11 =	sshrl.u32 s13, $0x3;
	s13 =	simm.s32 $0x2800;
	s7 =	sadd.s32 $0x3200, s8  }
0xf: {  	s8 =	sadd.s32 $0xD200, s8;
	s9 =	sadd.s32 $0x7BA00, s12;
	s12 =	simm.s32 $0x2  }
.LBB2_1:
0x10: {  	[spmem:s11], [sflag:s6] =	dma.local [hbm:s5], $0x2800  }
0x11: {  	_ =	swait.ge [sflag:s12], $0x2800  }
0x12: {  	[sflag:s12] =	ssyncset.done $0x0  }
0x13: {  	[sflag:s12] =	ssyncadd.s32 $0xFFFFD800  }
0x14: {  	[tilespmem:s3], [sflag:$0x2] =	stream.linear.gather [hbm4b:s7+s3], $0x2800, $0x38;
	[tilespmem:$0x1D000] =	vst v63  }
0x15: {  	_ =	swait.ge [sflag:s12], $0x2800  }
0x16: {  	[sflag:s12] =	ssyncset.done $0x0  }
0x17: {  	[sflag:s12] =	ssyncadd.s32 $0xFFFFD800  }
0x18: {  	[tilespmem:s13], [sflag:$0x2] =	stream.linear.gather [hbm4b:s8+s3], $0x2800, $0x38;
	[tilespmem:$0x1D000] =	vst v63  }
0x19: {  	_ =	swait.ge [sflag:s12], $0x2800  }
0x1a: {  	[sflag:s12] =	ssyncset.done $0x0  }
0x1b: {  	[sflag:s12] =	ssyncadd.s32 $0xFFFFD800  }
0x1c: {  	s18 =	simm.s32 $0x0;
	[bflag:$0x0] =	sbarrier.arrive $0xFFFF  }
0x1d: {  	[tilespmem:s15], [sflag:$0x1] =	stream.indirect.gather [hbm4b:s4+s14], $0x80, s18, s14, $0xb8;
	[tilespmem:$0x1D000] =	vst v63  }
0x1e: {  	_ =	swait.ge [sflag:s16], $0x4000  }
0x1f: {  	[sflag:s16] =	ssyncset.done $0x0  }
0x20: {  	s31 =	simm.s32 $0x2800;
	[sflag:s16] =	ssyncadd.s32 $0xFFFFC000  }
0x21: {  	[spmem:s2] =	stream.indirect.scatter.add.f32 [tilespmem:s15], [sflag:$0x2], $0x80, s31, s14, $0xb8;
	[tilespmem:$0x1D000] =	vst v63  }
0x22: {  	_ =	swait.ge [sflag:s12], $0x4000  }
0x23: {  	s19 =	simm.s32 $0x400;
	s18 =	simm.s32 $0x200;
	[sflag:s12] =	ssyncset.done $0x0  }
.LBB2_2:
0x24: {  	s20 =	sshra.s32 s18, $0x2  }
0x25: {  	[sflag:s12] =	ssyncadd.s32 $0xFFFFC000;
	s18 =	smov.u32 s19;
	s21 =	sadd.s32 $0x200, s19  }
0x26: {  	[tilespmem:s15], [sflag:$0x1] =	stream.indirect.gather [hbm4b:s4+s14], $0x80, s20, s14, $0xb8;
	[tilespmem:$0x1D000] =	vst v63  }
0x27: {  	p0 =	sne.s32 s19, $0x9E00;
	_ =	swait.ge [sflag:s16], $0x4000  }
.Ltmp0:
0x28: {  	[sflag:s16] =	ssyncset.done $0x0;
	(pc) =	sbr.rel @p0 .LBB2_2-.Ltmp0, $4  }
0x29: {  	s19 =	sadd.s32 $0x2800, s20;
	[sflag:s16] =	ssyncadd.s32 $0xFFFFC000  }
0x2a: {  	[spmem:s2] =	stream.indirect.scatter.add.f32 [tilespmem:s15], [sflag:$0x2], $0x80, s19, s14, $0xb8;
	[tilespmem:$0x1D000] =	vst v63  }
0x2b: {  	_ =	swait.ge [sflag:s12], $0x4000  }
0x2c: {  	s19 =	smov.u32 s21;
	[sflag:s12] =	ssyncset.done $0x0  }
0x2d: {  	s18 =	sshra.s32 s18, $0x2;
	[sflag:s12] =	ssyncadd.s32 $0xFFFFC000  }
0x2e: {  	[tilespmem:s15], [sflag:$0x1] =	stream.indirect.gather [hbm4b:s4+s14], $0x80, s18, s14, $0xb8;
	[tilespmem:$0x1D000] =	vst v63  }
0x2f: {  	_ =	swait.ge [sflag:s16], $0x4000  }
0x30: {  	[sflag:s16] =	ssyncset.done $0x0  }
0x31: {  	s18 =	sadd.s32 $0x2800, s18;
	[sflag:s16] =	ssyncadd.s32 $0xFFFFC000  }
0x32: {  	[spmem:s2] =	stream.indirect.scatter.add.f32 [tilespmem:s15], [sflag:$0x2], $0x80, s18, s14, $0xb8;
	[tilespmem:$0x1D000] =	vst v63  }
0x33: {  	_ =	swait.ge [sflag:s12], $0x4000  }
0x34: {  	s17 =	sadd.s32 $0x1, s17;
	[sflag:s12] =	ssyncset.done $0x0  }
0x35: {  	p0 =	sne.s32 s17, s10;
	[sflag:s12] =	ssyncadd.s32 $0xFFFFC000  }
.Ltmp1:
0x36: {  	[bflag:$0x0] =	sbarrier.arrive $0xFFFF;
	(pc) =	sbr.rel @p0 .LBB2_1-.Ltmp1, $4  }
0x37: {  	[hbm:s9], [sflag:s6] =	dma.local [spmem:s11], $0x2800  }
0x38: {  	_ =	swait.ge [sflag:s12], $0x2800  }
0x39: {  	[sflag:s12] =	ssyncset.done $0x0  }
0x3a: {  	[sflag:s12] =	ssyncadd.s32 $0xFFFFD800  }
0x3b: {  	_ =	sfence.sel $0x180000  }
0x3c: {  	[bflag:$0x0] =	sbarrier.arrive $0xFFFF  }
0x3d: {  	p0 =	sne.s32 s0, $0x0;
	_ =	strace $0x90000050  }
0x3e: {  	s0 =	sadd.s32 @!p0 $0x100000, s1;
	[bflag:$0x2] =	sbarrier.arrive $0xFFFF  }
0x3f: {  	[sflag:s0] =	ssyncadd.tile.s32 @!p0 $0x1;
	_ =	shalt  }
.Lfunc_end2:
_tile_overlayer_lowered:
.L_overlay_start_2:
0x40: {  	(tag) =	ssettag $0x2  }
0x41: {  	s0 =	rddreg [dreg:$0x0];
	s2 =	stileid.u32  }
0x42: {  	s1 =	rddreg [dreg:$0x1];
	p0 =	sne.s32 s2, $0x0  }
0x43: {  	s3 =	rddreg [dreg:$0x2];
	[bflag:$0x3] =	sbarrier.arrive $0xFFFF;
	s2 =	simm.s32 @!p0 $0x1C02  }
0x44: {  	[timem:s3], [sflag:s2] =	dma.local @!p0 [hbm:s0], s1  }
0x45: {  	s0 =	simm.s32 @!p0 $0x2  }
0x46: {  	_ =	swait.ge @!p0 [sflag:s0], s1  }
0x47: {  	s1 =	ssub.s32 @!p0 $0x0, s1;
	[sflag:s0] =	ssyncset.done @!p0 $0x0  }
0x48: {  	[sflag:s0] =	ssyncadd.s32 @!p0 s1  }
0x49: {  	[bflag:$0x3] =	sbarrier.arrive $0xFFFF  }
0x4a: {  	_ =	shalt  }

</sc_bundles>
